<compile_context>
chip_gen: v7x
topology: tpu7x:2x2x1
jax: 0.10.2.dev20260603
libtpu: 0.0.44.dev20260713+nightly
codegen_flags: <defaults>
</compile_context>

<pallas_src>
import functools

import jax
import jax.numpy as jnp
from jax import lax
from jax.experimental import pallas as pl
from jax.experimental.pallas import tpu as pltpu
from jax.experimental.pallas import tpu_sc as plsc

_OUT = 128
_MAX = 47
_SUM = 47
_RND = _OUT - 2 * _MAX
_S = 196
_POOL3 = _S - _MAX - _SUM

_B = 8
_I = 32
_O = 32
_H = 16
_PAIRS = _B * _I
_PSPLIT = 64

_NC = 2
_NS = 16
_NW = _NC * _NS
_HHALF = _H // 2
_COLS = _HHALF * _O
_NTASK = _PSPLIT * 2
_TPW = _NTASK // _NW
_PB = 4


def _build_q():
    idx_lucky = jax.random.permutation(jax.random.key(42), _POOL3)[:_RND]
    idx43 = jax.random.permutation(jax.random.key(43), _OUT)
    inv43 = jnp.zeros(_OUT, jnp.int32).at[idx43].set(jnp.arange(_OUT, dtype=jnp.int32))
    invlucky = jnp.full(_POOL3, _OUT, jnp.int32).at[idx_lucky].set(
        jnp.arange(_RND, dtype=jnp.int32))
    kept = invlucky < _RND
    t3 = jnp.where(kept, inv43[jnp.clip(2 * _MAX + invlucky, 0, _OUT - 1)], 999)
    t = jnp.concatenate([inv43[: 2 * _MAX], t3])
    q = (t[:, None] == jnp.arange(_OUT, dtype=jnp.int32)[None, :]).astype(jnp.float32)
    return q


def _mm(a, b, precision=None):
    return jnp.dot(a, b, preferred_element_type=jnp.float32,
                   precision=precision)


def _rank_cmat(r):
    i0 = lax.broadcasted_iota(jnp.int32, (_S, _S), 0)
    i1 = lax.broadcasted_iota(jnp.int32, (_S, _S), 1)
    eye = (i0 == i1).astype(jnp.float32)
    ones_row = jnp.ones((1, _S), jnp.float32)
    ones_mat = jnp.ones((_S, _S), jnp.float32)

    def colb(v_row, precision=None):
        return _mm(v_row * eye, ones_mat, precision)

    x_row = jnp.max(r, axis=0, keepdims=True)
    y_row = jnp.sum(r, axis=0, keepdims=True)
    x_cb = colb(x_row, lax.Precision.HIGHEST)
    y_cb = colb(y_row, lax.Precision.HIGHEST)

    m1 = jnp.where((x_cb > x_row) | ((x_cb == x_row) & (i0 < i1)), 1.0, 0.0)
    r1_row = _mm(ones_row, m1)
    r1_cb = colb(r1_row)

    pool_cb = r1_cb >= _MAX
    m2 = jnp.where(
        pool_cb & ((y_cb > y_row) | ((y_cb == y_row) & (r1_cb < r1_row))),
        1.0, 0.0)
    r2_row = _mm(ones_row, m2)

    c_row = jnp.where(r1_row < _MAX, r1_row, _MAX + r2_row)
    c_cb = colb(c_row)
    return (c_cb == i1.astype(jnp.float32)).astype(jnp.float32)


def _idx_body(route_ref, q_ref, out_ref):
    for ii in range(route_ref.shape[1]):
        cmat = _rank_cmat(route_ref[0, ii])
        iota_row = lax.broadcasted_iota(jnp.int32, (1, _S), 1).astype(jnp.float32)
        invc = _mm(iota_row, cmat)
        src_row = _mm(invc, q_ref[...])
        out_ref[0, ii] = src_row.astype(jnp.int32)[0]


def _fused_body(route_ref, votes_ref, q_ref, out_ref):
    for ii in range(route_ref.shape[1]):
        cmat = _rank_cmat(route_ref[0, ii])
        p = _mm(cmat, q_ref[...]).astype(jnp.bfloat16)

        v = votes_ref[0, ii]
        v1 = v.astype(jnp.bfloat16)
        rem = v - v1.astype(jnp.float32)
        v2 = rem.astype(jnp.bfloat16)
        v3 = (rem - v2.astype(jnp.float32)).astype(jnp.bfloat16)
        dn = (((0,), (0,)), ((), ()))
        acc = (lax.dot_general(v1, p, dn, preferred_element_type=jnp.float32)
               + lax.dot_general(v2, p, dn, preferred_element_type=jnp.float32)
               + lax.dot_general(v3, p, dn, preferred_element_type=jnp.float32))
        out_ref[0, ii] = acc.reshape(_H, _O, _OUT).transpose(1, 0, 2)


def _compute_src(route_p, q):
    n = route_p.shape[0]
    route_b = route_p.reshape(n // _PB, _PB, _O, _S)
    src = pl.pallas_call(
        _idx_body,
        grid=(n // _PB,),
        in_specs=[
            pl.BlockSpec((1, _PB, _O, _S), lambda p: (p, 0, 0, 0)),
            pl.BlockSpec((_S, _OUT), lambda p: (0, 0)),
        ],
        out_specs=pl.BlockSpec((1, _PB, _OUT), lambda p: (p, 0, 0)),
        out_shape=jax.ShapeDtypeStruct((n // _PB, _PB, _OUT), jnp.int32),
    )(route_b, q)
    return src.reshape(n, _OUT)


def _tc_gather(route_p, votes_p, q):
    n = route_p.shape[0]
    out = pl.pallas_call(
        _fused_body,
        grid=(n // _PB,),
        in_specs=[
            pl.BlockSpec((1, _PB, _O, _S), lambda p: (p, 0, 0, 0)),
            pl.BlockSpec((1, _PB, _S, _H * _O), lambda p: (p, 0, 0, 0)),
            pl.BlockSpec((_S, _OUT), lambda p: (0, 0)),
        ],
        out_specs=pl.BlockSpec((1, _PB, _O, _H, _OUT),
                               lambda p: (p, 0, 0, 0, 0)),
        out_shape=jax.ShapeDtypeStruct((n // _PB, _PB, _O, _H, _OUT),
                                       jnp.float32),
    )(route_p.reshape(n // _PB, _PB, _O, _S),
      votes_p.reshape(n // _PB, _PB, _S, _H * _O), q)
    return out.reshape(n, _O, _H, _OUT)


def _sc_gather_body(votes_hbm, src_hbm, out_hbm, in_v, out_v, src_v):
    cid = lax.axis_index("c")
    sid = lax.axis_index("s")
    wid = sid * _NC + cid

    def task(t, carry):
        task_id = wid * _TPW + t
        pair = task_id // 2
        half = task_id % 2
        pltpu.sync_copy(src_hbm.at[pair], src_v)
        pltpu.sync_copy(
            votes_hbm.at[pair, :, pl.ds(half * _COLS, _COLS)], in_v)

        src16 = [src_v[pl.ds(kc * 16, 16)] for kc in range(_OUT // 16)]

        def row(j, c2):
            o = j // _HHALF
            hh = j - o * _HHALF
            col = jnp.full((16,), hh * _O + o, jnp.int32)
            for kc in range(_OUT // 16):
                out_v[o, hh, pl.ds(kc * 16, 16)] = plsc.load_gather(
                    in_v, [src16[kc], col])
            return c2

        lax.fori_loop(0, _O * _HHALF, row, 0)
        pltpu.sync_copy(
            out_v, out_hbm.at[pair, :, pl.ds(half * _HHALF, _HHALF), :])
        return carry

    lax.fori_loop(0, _TPW, task, 0)


@functools.cache
def _make_sc_gather():
    mesh = plsc.VectorSubcoreMesh(
        core_axis_name="c", subcore_axis_name="s",
        num_cores=_NC, num_subcores=_NS)
    return pl.kernel(
        _sc_gather_body,
        out_type=jax.ShapeDtypeStruct((_PSPLIT, _O, _H, _OUT), jnp.float32),
        mesh=mesh,
        scratch_types=[
            pltpu.VMEM((_S, _COLS), jnp.float32),
            pltpu.VMEM((_O, _HHALF, _OUT), jnp.float32),
            pltpu.VMEM((_OUT,), jnp.int32),
        ],
        compiler_params=pltpu.CompilerParams(needs_layout_passes=False),
    )


def kernel(votes, route):
    b, input_dim, output_dim, h = votes.shape[:4]
    votes_nat = votes.transpose(0, 1, 4, 5, 3, 2).reshape(
        _PAIRS, _S, h * output_dim)
    route_p = route.reshape(_PAIRS, output_dim, _S)
    q = _build_q()

    src = _compute_src(route_p[:_PSPLIT], q)
    sc_out = _make_sc_gather()(votes_nat[:_PSPLIT], src)
    tc_out = _tc_gather(route_p[_PSPLIT:], votes_nat[_PSPLIT:], q)

    out = jnp.concatenate([sc_out, tc_out], axis=0)
    return out.reshape(b, input_dim, output_dim, h, _OUT)[..., None]

# --- scband reference (transcript-rebuilt; emitter-appended) ---
"""Pipeline reference for scband-max-route-reduce-40089224741390 (READ-ONLY COPY).

The authoritative reference and input builder live on the scoring server;
editing this copy changes nothing except your own understanding.
"""

import jax, jax.numpy as jnp
import numpy as np

OUT_SZ = 128
MAX_SZ = int(37.0 * OUT_SZ / 100.0)   # 47
SUM_SZ = int(37.0 * OUT_SZ / 100.0)   # 47
RND_SZ = OUT_SZ - MAX_SZ - SUM_SZ     # 34


def setup_inputs(seed: int = 0) -> dict:
    key = jax.random.key(seed)
    k1, k2 = jax.random.split(key)
    votes = jax.random.normal(k1, (8, 32, 32, 16, 14, 14), dtype=jnp.float32)
    route = jax.random.normal(k2, (8, 32, 32, 14, 14), dtype=jnp.float32)
    return {"votes": votes, "route": route}


def reference(votes, route):
    b, input_dim, output_dim, h = votes.shape[:4]
    votes = votes.reshape(b, input_dim, output_dim, h, -1)
    route = route.reshape(b, input_dim, output_dim, -1)
    segment_list = []

    # --- max branch ---
    oper = jnp.max(route, axis=2)                       # (b, input_dim, S)
    sort_id = jnp.argsort(-oper, axis=2)                # descending sort indices
    S = sort_id.shape[-1]
    sid4 = jnp.broadcast_to(sort_id[:, :, None, :], (b, input_dim, output_dim, S))
    sid5 = jnp.broadcast_to(sort_id[:, :, None, None, :], (b, input_dim, output_dim, h, S))
    segment_list.append(jnp.take_along_axis(votes, sid5[..., :MAX_SZ], axis=4))
    votes = jnp.take_along_axis(votes, sid5[..., MAX_SZ:], axis=4)
    route = jnp.take_along_axis(route, sid4[..., MAX_SZ:], axis=3)

    # --- sum branch ---
    oper = jnp.sum(route, axis=2)                       # (b, input_dim, S')
    sort_id = jnp.argsort(-oper, axis=2)
    S2 = sort_id.shape[-1]
    sid5 = jnp.broadcast_to(sort_id[:, :, None, None, :], (b, input_dim, output_dim, h, S2))
    segment_list.append(jnp.take_along_axis(votes, sid5[..., :SUM_SZ], axis=4))
    votes = jnp.take_along_axis(votes, sid5[..., SUM_SZ:], axis=4)

    # --- random branch (torch.randperm -> deterministic jax permutation) ---
    idx_lucky = jax.random.permutation(jax.random.key(42), votes.shape[4])[:RND_SZ]
    segment_list.append(jnp.take(votes, idx_lucky, axis=4))

    votes = jnp.concatenate(segment_list, axis=4)
    idx = jax.random.permutation(jax.random.key(43), votes.shape[4])
    votes_sorted = jnp.take(votes, idx, axis=4)[..., None]
    return votes_sorted

if __name__ == "__main__":
    import jax
    _d = setup_inputs()
    print(jax.jit(kernel)(*tuple(_d.values())))

</pallas_src>

<mosaic_0001>
#map = affine_map<(d0, d1) -> (0, 0, 0)>
#map1 = affine_map<(d0, d1) -> (0, 0)>
#map2 = affine_map<(d0, d1) -> (0, 0, 0, 0)>
module attributes {stable_mosaic.version = 14 : i64} {
  func.func @_sc_gather_body(%arg0: i32, %arg1: i32, %arg2: memref<64x196x512xf32, #tpu.memory_space<hbm>>, %arg3: memref<64x128xi32, #tpu.memory_space<hbm>>, %arg4: memref<64x32x16x128xf32, #tpu.memory_space<hbm>>, %arg5: memref<196x256xf32, #tpu.memory_space<vmem>>, %arg6: memref<32x8x128xf32, #tpu.memory_space<vmem>>, %arg7: memref<128xi32, #tpu.memory_space<vmem>>) attributes {dimension_semantics = [#tpu.dimension_semantics<core_parallel>, #tpu.dimension_semantics<subcore_parallel>], iteration_bounds = array<i64: 2, 16>, scalar_prefetch = 0 : i64, scratch_operands = 3 : i64, tpu.core_type = #tpu.core_type<sc_vector_subcore>, window_params = [{transform_indices = #map}, {transform_indices = #map1}, {transform_indices = #map2}]} {
    %mul3A = arith.constant 2 : i32
    %mul3A_0 = arith.muli %arg1, %mul3A : i32
    %add3A = arith.addi %mul3A_0, %arg0 : i32
    %scan3A = arith.constant 0 : i32
    %scan3A_1 = arith.constant 0 : i32
    %scan3A_2 = arith.constant 4 : i32
    %scan3A_3 = arith.addi %scan3A_1, %scan3A_2 : i32
    %scan3A_4 = arith.constant 1 : i32
    scf.for %scan3A_6 = %scan3A_1 to %scan3A_3 step %scan3A_4  : i32 {
      %mul3A_7 = arith.constant 4 : i32
      %mul3A_8 = arith.muli %add3A, %mul3A_7 : i32
      %add3A_9 = arith.addi %mul3A_8, %scan3A_6 : i32
      %jit3A = arith.constant 2 : i32
      %div3A = arith.divsi %add3A_9, %jit3A : i32
      %sign3A = arith.constant 0 : i32
      %sign3A_10 = arith.cmpi sgt, %add3A_9, %sign3A : i32
      %sign3A_11 = arith.extui %sign3A_10 : i1 to i32
      %sign3A_12 = arith.constant 0 : i32
      %sign3A_13 = arith.cmpi slt, %add3A_9, %sign3A_12 : i32
      %sign3A_14 = arith.extui %sign3A_13 : i1 to i32
      %sign3A_15 = arith.subi %sign3A_11, %sign3A_14 : i32
      %sign3A_16 = arith.constant 0 : i32
      %sign3A_17 = arith.cmpi sgt, %jit3A, %sign3A_16 : i32
      %sign3A_18 = arith.extui %sign3A_17 : i1 to i32
      %sign3A_19 = arith.constant 0 : i32
      %sign3A_20 = arith.cmpi slt, %jit3A, %sign3A_19 : i32
      %sign3A_21 = arith.extui %sign3A_20 : i1 to i32
      %sign3A_22 = arith.subi %sign3A_18, %sign3A_21 : i32
      %ne3A = arith.cmpi ne, %sign3A_15, %sign3A_22 : i32
      %rem3A = arith.remsi %add3A_9, %jit3A : i32
      %ne3A_23 = arith.constant 0 : i32
      %ne3A_24 = arith.cmpi ne, %rem3A, %ne3A_23 : i32
      %and3A = arith.andi %ne3A, %ne3A_24 : i1
      %sub3A = arith.constant 1 : i32
      %sub3A_25 = arith.subi %div3A, %sub3A : i32
      %select_n3A = arith.select %and3A, %sub3A_25, %div3A : i32
      %jit3A_26 = arith.constant 2 : i32
      %eq3A = arith.constant 0 : i32
      %eq3A_27 = arith.cmpi eq, %jit3A_26, %eq3A : i32
      %jit3A_28 = arith.constant 1 : i32
      %select_n3A_29 = arith.select %eq3A_27, %jit3A_28, %jit3A_26 : i32
      %rem3A_30 = arith.remsi %add3A_9, %select_n3A_29 : i32
      %ne3A_31 = arith.constant 0 : i32
      %ne3A_32 = arith.cmpi ne, %rem3A_30, %ne3A_31 : i32
      %lt3A = arith.constant 0 : i32
      %lt3A_33 = arith.cmpi slt, %rem3A_30, %lt3A : i32
      %lt3A_34 = arith.constant 0 : i32
      %lt3A_35 = arith.cmpi slt, %select_n3A_29, %lt3A_34 : i32
      %ne3A_36 = arith.xori %lt3A_33, %lt3A_35 : i1
      %and3A_37 = arith.andi %ne3A_36, %ne3A_32 : i1
      %add3A_38 = arith.addi %rem3A_30, %select_n3A_29 : i32
      %select_n3A_39 = arith.select %and3A_37, %add3A_38, %rem3A_30 : i32
      "tpu.region"() ({
        %run_scoped3A = tpu.sem_alloc : memref<!tpu.dma_semaphore, #tpu.memory_space<semaphore_mem>>
        %dma_start3A = arith.constant 0 : i32
        %dma_start3A_65 = tpu.memref_slice %arg3[%select_n3A, %dma_start3A] : memref<64x128xi32, #tpu.memory_space<hbm>> -> memref<1x128xi32, #tpu.memory_space<hbm>>
        %dma_start3A_66 = tpu.memref_squeeze %dma_start3A_65 : memref<1x128xi32, #tpu.memory_space<hbm>> -> memref<128xi32, #tpu.memory_space<hbm>>
        %dma_start3A_67 = arith.constant 0 : i32
        %dma_start3A_68 = tpu.memref_slice %arg3[%select_n3A, %dma_start3A_67] : memref<64x128xi32, #tpu.memory_space<hbm>> -> memref<1x128xi32, #tpu.memory_space<hbm>>
        %dma_start3A_69 = tpu.memref_squeeze %dma_start3A_68 : memref<1x128xi32, #tpu.memory_space<hbm>> -> memref<128xi32, #tpu.memory_space<hbm>>
        tpu.enqueue_dma source(%dma_start3A_69 : memref<128xi32, #tpu.memory_space<hbm>>) target(%arg7 : memref<128xi32, #tpu.memory_space<vmem>>) target_semaphore(%run_scoped3A : memref<!tpu.dma_semaphore, #tpu.memory_space<semaphore_mem>>)
        %dma_wait3A = arith.constant 0 : i32
        %dma_wait3A_70 = tpu.memref_slice %arg3[%select_n3A, %dma_wait3A] : memref<64x128xi32, #tpu.memory_space<hbm>> -> memref<1x128xi32, #tpu.memory_space<hbm>>
        %dma_wait3A_71 = tpu.memref_squeeze %dma_wait3A_70 : memref<1x128xi32, #tpu.memory_space<hbm>> -> memref<128xi32, #tpu.memory_space<hbm>>
        %dma_wait3A_72 = arith.constant 0 : i32
        %dma_wait3A_73 = tpu.memref_slice %arg3[%select_n3A, %dma_wait3A_72] : memref<64x128xi32, #tpu.memory_space<hbm>> -> memref<1x128xi32, #tpu.memory_space<hbm>>
        %dma_wait3A_74 = tpu.memref_squeeze %dma_wait3A_73 : memref<1x128xi32, #tpu.memory_space<hbm>> -> memref<128xi32, #tpu.memory_space<hbm>>
        tpu.wait_dma2 semaphore(%run_scoped3A : memref<!tpu.dma_semaphore, #tpu.memory_space<semaphore_mem>>) src(%dma_wait3A_74 : memref<128xi32, #tpu.memory_space<hbm>>) dst(%arg7 : memref<128xi32, #tpu.memory_space<vmem>>)
        tpu.yield
      }) : () -> ()
      %mul3A_40 = arith.constant 256 : i32
      %mul3A_41 = arith.muli %select_n3A_39, %mul3A_40 : i32
      "tpu.region"() ({
        %run_scoped3A = tpu.sem_alloc : memref<!tpu.dma_semaphore, #tpu.memory_space<semaphore_mem>>
        %dma_start3A = arith.constant 0 : i32
        %dma_start3A_65 = tpu.memref_slice %arg2[%select_n3A, %dma_start3A, %mul3A_41] : memref<64x196x512xf32, #tpu.memory_space<hbm>> -> memref<1x196x256xf32, #tpu.memory_space<hbm>>
        %dma_start3A_66 = tpu.memref_squeeze %dma_start3A_65 : memref<1x196x256xf32, #tpu.memory_space<hbm>> -> memref<196x256xf32, #tpu.memory_space<hbm>>
        %dma_start3A_67 = arith.constant 0 : i32
        %dma_start3A_68 = tpu.memref_slice %arg2[%select_n3A, %dma_start3A_67, %mul3A_41] : memref<64x196x512xf32, #tpu.memory_space<hbm>> -> memref<1x196x256xf32, #tpu.memory_space<hbm>>
        %dma_start3A_69 = tpu.memref_squeeze %dma_start3A_68 : memref<1x196x256xf32, #tpu.memory_space<hbm>> -> memref<196x256xf32, #tpu.memory_space<hbm>>
        tpu.enqueue_dma source(%dma_start3A_69 : memref<196x256xf32, #tpu.memory_space<hbm>>) target(%arg5 : memref<196x256xf32, #tpu.memory_space<vmem>>) target_semaphore(%run_scoped3A : memref<!tpu.dma_semaphore, #tpu.memory_space<semaphore_mem>>)
        %dma_wait3A = arith.constant 0 : i32
        %dma_wait3A_70 = tpu.memref_slice %arg2[%select_n3A, %dma_wait3A, %mul3A_41] : memref<64x196x512xf32, #tpu.memory_space<hbm>> -> memref<1x196x256xf32, #tpu.memory_space<hbm>>
        %dma_wait3A_71 = tpu.memref_squeeze %dma_wait3A_70 : memref<1x196x256xf32, #tpu.memory_space<hbm>> -> memref<196x256xf32, #tpu.memory_space<hbm>>
        %dma_wait3A_72 = arith.constant 0 : i32
        %dma_wait3A_73 = tpu.memref_slice %arg2[%select_n3A, %dma_wait3A_72, %mul3A_41] : memref<64x196x512xf32, #tpu.memory_space<hbm>> -> memref<1x196x256xf32, #tpu.memory_space<hbm>>
        %dma_wait3A_74 = tpu.memref_squeeze %dma_wait3A_73 : memref<1x196x256xf32, #tpu.memory_space<hbm>> -> memref<196x256xf32, #tpu.memory_space<hbm>>
        tpu.wait_dma2 semaphore(%run_scoped3A : memref<!tpu.dma_semaphore, #tpu.memory_space<semaphore_mem>>) src(%dma_wait3A_74 : memref<196x256xf32, #tpu.memory_space<hbm>>) dst(%arg5 : memref<196x256xf32, #tpu.memory_space<vmem>>)
        tpu.yield
      }) : () -> ()
      %get3A = arith.constant 0 : index
      %get3A_42 = tpu.vector_load %arg7[%get3A] {strides = array<i32>} : memref<128xi32, #tpu.memory_space<vmem>>, vector<16xi32>,
      %get3A_43 = arith.constant 16 : index
      %get3A_44 = tpu.vector_load %arg7[%get3A_43] {strides = array<i32>} : memref<128xi32, #tpu.memory_space<vmem>>, vector<16xi32>,
      %get3A_45 = arith.constant 32 : index
      %get3A_46 = tpu.vector_load %arg7[%get3A_45] {strides = array<i32>} : memref<128xi32, #tpu.memory_space<vmem>>, vector<16xi32>,
      %get3A_47 = arith.constant 48 : index
      %get3A_48 = tpu.vector_load %arg7[%get3A_47] {strides = array<i32>} : memref<128xi32, #tpu.memory_space<vmem>>, vector<16xi32>,
      %get3A_49 = arith.constant 64 : index
      %get3A_50 = tpu.vector_load %arg7[%get3A_49] {strides = array<i32>} : memref<128xi32, #tpu.memory_space<vmem>>, vector<16xi32>,
      %get3A_51 = arith.constant 80 : index
      %get3A_52 = tpu.vector_load %arg7[%get3A_51] {strides = array<i32>} : memref<128xi32, #tpu.memory_space<vmem>>, vector<16xi32>,
      %get3A_53 = arith.constant 96 : index
      %get3A_54 = tpu.vector_load %arg7[%get3A_53] {strides = array<i32>} : memref<128xi32, #tpu.memory_space<vmem>>, vector<16xi32>,
      %get3A_55 = arith.constant 112 : index
      %get3A_56 = tpu.vector_load %arg7[%get3A_55] {strides = array<i32>} : memref<128xi32, #tpu.memory_space<vmem>>, vector<16xi32>,
      %scan3A_57 = arith.constant 0 : i32
      %scan3A_58 = arith.constant 0 : i32
      %scan3A_59 = arith.constant 256 : i32
      %scan3A_60 = arith.addi %scan3A_58, %scan3A_59 : i32
      %scan3A_61 = arith.constant 1 : i32
      scf.for %scan3A_65 = %scan3A_58 to %scan3A_60 step %scan3A_61  : i32 {
        %jit3A_66 = arith.constant 8 : i32
        %div3A_67 = arith.divsi %scan3A_65, %jit3A_66 : i32
        %sign3A_68 = arith.constant 0 : i32
        %sign3A_69 = arith.cmpi sgt, %scan3A_65, %sign3A_68 : i32
        %sign3A_70 = arith.extui %sign3A_69 : i1 to i32
        %sign3A_71 = arith.constant 0 : i32
        %sign3A_72 = arith.cmpi slt, %scan3A_65, %sign3A_71 : i32
        %sign3A_73 = arith.extui %sign3A_72 : i1 to i32
        %sign3A_74 = arith.subi %sign3A_70, %sign3A_73 : i32
        %sign3A_75 = arith.constant 0 : i32
        %sign3A_76 = arith.cmpi sgt, %jit3A_66, %sign3A_75 : i32
        %sign3A_77 = arith.extui %sign3A_76 : i1 to i32
        %sign3A_78 = arith.constant 0 : i32
        %sign3A_79 = arith.cmpi slt, %jit3A_66, %sign3A_78 : i32
        %sign3A_80 = arith.extui %sign3A_79 : i1 to i32
        %sign3A_81 = arith.subi %sign3A_77, %sign3A_80 : i32
        %ne3A_82 = arith.cmpi ne, %sign3A_74, %sign3A_81 : i32
        %rem3A_83 = arith.remsi %scan3A_65, %jit3A_66 : i32
        %ne3A_84 = arith.constant 0 : i32
        %ne3A_85 = arith.cmpi ne, %rem3A_83, %ne3A_84 : i32
        %and3A_86 = arith.andi %ne3A_82, %ne3A_85 : i1
        %sub3A_87 = arith.constant 1 : i32
        %sub3A_88 = arith.subi %div3A_67, %sub3A_87 : i32
        %select_n3A_89 = arith.select %and3A_86, %sub3A_88, %div3A_67 : i32
        %mul3A_90 = arith.constant 8 : i32
        %mul3A_91 = arith.muli %select_n3A_89, %mul3A_90 : i32
        %sub3A_92 = arith.subi %scan3A_65, %mul3A_91 : i32
        %mul3A_93 = arith.constant 32 : i32
        %mul3A_94 = arith.muli %sub3A_92, %mul3A_93 : i32
        %add3A_95 = arith.addi %mul3A_94, %select_n3A_89 : i32
        %broadcast_in_dim3A = vector.broadcast %add3A_95 : i32 to vector<16xi32>
        %gather3A = tpu.vector_load_idx %arg5[%get3A_42, %broadcast_in_dim3A] : memref<196x256xf32, #tpu.memory_space<vmem>>[vector<16xi32>, vector<16xi32>], vector<16xf32>,
        %swap3A = arith.index_cast %select_n3A_89 : i32 to index
        %swap3A_96 = arith.index_cast %sub3A_92 : i32 to index
        %swap3A_97 = arith.constant 0 : index
        %swap3A_98 = tpu.vector_load %arg6[%swap3A, %swap3A_96, %swap3A_97] {strides = array<i32>} : memref<32x8x128xf32, #tpu.memory_space<vmem>>, vector<16xf32>,
        tpu.vector_store %arg6[%swap3A, %swap3A_96, %swap3A_97], %gather3A {strides = array<i32>} : memref<32x8x128xf32, #tpu.memory_space<vmem>>, vector<16xf32>,
        %gather3A_99 = tpu.vector_load_idx %arg5[%get3A_44, %broadcast_in_dim3A] : memref<196x256xf32, #tpu.memory_space<vmem>>[vector<16xi32>, vector<16xi32>], vector<16xf32>,
        %swap3A_100 = arith.index_cast %select_n3A_89 : i32 to index
        %swap3A_101 = arith.index_cast %sub3A_92 : i32 to index
        %swap3A_102 = arith.constant 16 : index
        %swap3A_103 = tpu.vector_load %arg6[%swap3A_100, %swap3A_101, %swap3A_102] {strides = array<i32>} : memref<32x8x128xf32, #tpu.memory_space<vmem>>, vector<16xf32>,
        tpu.vector_store %arg6[%swap3A_100, %swap3A_101, %swap3A_102], %gather3A_99 {strides = array<i32>} : memref<32x8x128xf32, #tpu.memory_space<vmem>>, vector<16xf32>,
        %gather3A_104 = tpu.vector_load_idx %arg5[%get3A_46, %broadcast_in_dim3A] : memref<196x256xf32, #tpu.memory_space<vmem>>[vector<16xi32>, vector<16xi32>], vector<16xf32>,
        %swap3A_105 = arith.index_cast %select_n3A_89 : i32 to index
        %swap3A_106 = arith.index_cast %sub3A_92 : i32 to index
        %swap3A_107 = arith.constant 32 : index
        %swap3A_108 = tpu.vector_load %arg6[%swap3A_105, %swap3A_106, %swap3A_107] {strides = array<i32>} : memref<32x8x128xf32, #tpu.memory_space<vmem>>, vector<16xf32>,
        tpu.vector_store %arg6[%swap3A_105, %swap3A_106, %swap3A_107], %gather3A_104 {strides = array<i32>} : memref<32x8x128xf32, #tpu.memory_space<vmem>>, vector<16xf32>,
        %gather3A_109 = tpu.vector_load_idx %arg5[%get3A_48, %broadcast_in_dim3A] : memref<196x256xf32, #tpu.memory_space<vmem>>[vector<16xi32>, vector<16xi32>], vector<16xf32>,
        %swap3A_110 = arith.index_cast %select_n3A_89 : i32 to index
        %swap3A_111 = arith.index_cast %sub3A_92 : i32 to index
        %swap3A_112 = arith.constant 48 : index
        %swap3A_113 = tpu.vector_load %arg6[%swap3A_110, %swap3A_111, %swap3A_112] {strides = array<i32>} : memref<32x8x128xf32, #tpu.memory_space<vmem>>, vector<16xf32>,
        tpu.vector_store %arg6[%swap3A_110, %swap3A_111, %swap3A_112], %gather3A_109 {strides = array<i32>} : memref<32x8x128xf32, #tpu.memory_space<vmem>>, vector<16xf32>,
        %gather3A_114 = tpu.vector_load_idx %arg5[%get3A_50, %broadcast_in_dim3A] : memref<196x256xf32, #tpu.memory_space<vmem>>[vector<16xi32>, vector<16xi32>], vector<16xf32>,
        %swap3A_115 = arith.index_cast %select_n3A_89 : i32 to index
        %swap3A_116 = arith.index_cast %sub3A_92 : i32 to index
        %swap3A_117 = arith.constant 64 : index
        %swap3A_118 = tpu.vector_load %arg6[%swap3A_115, %swap3A_116, %swap3A_117] {strides = array<i32>} : memref<32x8x128xf32, #tpu.memory_space<vmem>>, vector<16xf32>,
        tpu.vector_store %arg6[%swap3A_115, %swap3A_116, %swap3A_117], %gather3A_114 {strides = array<i32>} : memref<32x8x128xf32, #tpu.memory_space<vmem>>, vector<16xf32>,
        %gather3A_119 = tpu.vector_load_idx %arg5[%get3A_52, %broadcast_in_dim3A] : memref<196x256xf32, #tpu.memory_space<vmem>>[vector<16xi32>, vector<16xi32>], vector<16xf32>,
        %swap3A_120 = arith.index_cast %select_n3A_89 : i32 to index
        %swap3A_121 = arith.index_cast %sub3A_92 : i32 to index
        %swap3A_122 = arith.constant 80 : index
        %swap3A_123 = tpu.vector_load %arg6[%swap3A_120, %swap3A_121, %swap3A_122] {strides = array<i32>} : memref<32x8x128xf32, #tpu.memory_space<vmem>>, vector<16xf32>,
        tpu.vector_store %arg6[%swap3A_120, %swap3A_121, %swap3A_122], %gather3A_119 {strides = array<i32>} : memref<32x8x128xf32, #tpu.memory_space<vmem>>, vector<16xf32>,
        %gather3A_124 = tpu.vector_load_idx %arg5[%get3A_54, %broadcast_in_dim3A] : memref<196x256xf32, #tpu.memory_space<vmem>>[vector<16xi32>, vector<16xi32>], vector<16xf32>,
        %swap3A_125 = arith.index_cast %select_n3A_89 : i32 to index
        %swap3A_126 = arith.index_cast %sub3A_92 : i32 to index
        %swap3A_127 = arith.constant 96 : index
        %swap3A_128 = tpu.vector_load %arg6[%swap3A_125, %swap3A_126, %swap3A_127] {strides = array<i32>} : memref<32x8x128xf32, #tpu.memory_space<vmem>>, vector<16xf32>,
        tpu.vector_store %arg6[%swap3A_125, %swap3A_126, %swap3A_127], %gather3A_124 {strides = array<i32>} : memref<32x8x128xf32, #tpu.memory_space<vmem>>, vector<16xf32>,
        %gather3A_129 = tpu.vector_load_idx %arg5[%get3A_56, %broadcast_in_dim3A] : memref<196x256xf32, #tpu.memory_space<vmem>>[vector<16xi32>, vector<16xi32>], vector<16xf32>,
        %swap3A_130 = arith.index_cast %select_n3A_89 : i32 to index
        %swap3A_131 = arith.index_cast %sub3A_92 : i32 to index
        %swap3A_132 = arith.constant 112 : index
        %swap3A_133 = tpu.vector_load %arg6[%swap3A_130, %swap3A_131, %swap3A_132] {strides = array<i32>} : memref<32x8x128xf32, #tpu.memory_space<vmem>>, vector<16xf32>,
        tpu.vector_store %arg6[%swap3A_130, %swap3A_131, %swap3A_132], %gather3A_129 {strides = array<i32>} : memref<32x8x128xf32, #tpu.memory_space<vmem>>, vector<16xf32>,
      }
      %scan3A_62 = arith.constant 256 : i32
      %mul3A_63 = arith.constant 8 : i32
      %mul3A_64 = arith.muli %select_n3A_39, %mul3A_63 : i32
      "tpu.region"() ({
        %run_scoped3A = tpu.sem_alloc : memref<!tpu.dma_semaphore, #tpu.memory_space<semaphore_mem>>
        %dma_start3A = arith.constant 0 : i32
        %dma_start3A_65 = arith.constant 0 : i32
        %dma_start3A_66 = tpu.memref_slice %arg4[%select_n3A, %dma_start3A, %mul3A_64, %dma_start3A_65] : memref<64x32x16x128xf32, #tpu.memory_space<hbm>> -> memref<1x32x8x128xf32, #tpu.memory_space<hbm>>
        %dma_start3A_67 = tpu.memref_squeeze %dma_start3A_66 : memref<1x32x8x128xf32, #tpu.memory_space<hbm>> -> memref<32x8x128xf32, #tpu.memory_space<hbm>>
        %dma_start3A_68 = arith.constant 0 : i32
        %dma_start3A_69 = arith.constant 0 : i32
        %dma_start3A_70 = tpu.memref_slice %arg4[%select_n3A, %dma_start3A_68, %mul3A_64, %dma_start3A_69] : memref<64x32x16x128xf32, #tpu.memory_space<hbm>> -> memref<1x32x8x128xf32, #tpu.memory_space<hbm>>
        %dma_start3A_71 = tpu.memref_squeeze %dma_start3A_70 : memref<1x32x8x128xf32, #tpu.memory_space<hbm>> -> memref<32x8x128xf32, #tpu.memory_space<hbm>>
        tpu.enqueue_dma source(%arg6 : memref<32x8x128xf32, #tpu.memory_space<vmem>>) target(%dma_start3A_71 : memref<32x8x128xf32, #tpu.memory_space<hbm>>) target_semaphore(%run_scoped3A : memref<!tpu.dma_semaphore, #tpu.memory_space<semaphore_mem>>)
        %dma_wait3A = arith.constant 0 : i32
        %dma_wait3A_72 = arith.constant 0 : i32
        %dma_wait3A_73 = tpu.memref_slice %arg4[%select_n3A, %dma_wait3A, %mul3A_64, %dma_wait3A_72] : memref<64x32x16x128xf32, #tpu.memory_space<hbm>> -> memref<1x32x8x128xf32, #tpu.memory_space<hbm>>
        %dma_wait3A_74 = tpu.memref_squeeze %dma_wait3A_73 : memref<1x32x8x128xf32, #tpu.memory_space<hbm>> -> memref<32x8x128xf32, #tpu.memory_space<hbm>>
        %dma_wait3A_75 = arith.constant 0 : i32
        %dma_wait3A_76 = arith.constant 0 : i32
        %dma_wait3A_77 = tpu.memref_slice %arg4[%select_n3A, %dma_wait3A_75, %mul3A_64, %dma_wait3A_76] : memref<64x32x16x128xf32, #tpu.memory_space<hbm>> -> memref<1x32x8x128xf32, #tpu.memory_space<hbm>>
        %dma_wait3A_78 = tpu.memref_squeeze %dma_wait3A_77 : memref<1x32x8x128xf32, #tpu.memory_space<hbm>> -> memref<32x8x128xf32, #tpu.memory_space<hbm>>
        tpu.wait_dma2 semaphore(%run_scoped3A : memref<!tpu.dma_semaphore, #tpu.memory_space<semaphore_mem>>) src(%arg6 : memref<32x8x128xf32, #tpu.memory_space<vmem>>) dst(%dma_wait3A_78 : memref<32x8x128xf32, #tpu.memory_space<hbm>>)
        tpu.yield
      }) : () -> ()
    }
    %scan3A_5 = arith.constant 4 : i32
    return
  }
}

module attributes {stable_mosaic.version = 14 : i64} {
  func.func @_idx_body(%arg0: i32, %arg1: memref<1x4x32x196xf32, #tpu.memory_space<vmem>>, %arg2: memref<196x128xf32, #tpu.memory_space<vmem>>, %arg3: memref<1x4x128xi32, #tpu.memory_space<vmem>>) attributes {dimension_semantics = [#tpu.dimension_semantics<arbitrary>], iteration_bounds = array<i64: 16>, scalar_prefetch = 0 : i64, scratch_operands = 0 : i64, tpu.core_type = #tpu.core_type<tc>, window_params = [{transform_indices = @transform_0, window_bounds = array<i64: 1, 4, 32, 196>}, {pipeline_mode = #tpu.pipeline_mode<synchronous>, transform_indices = @transform_1, window_bounds = array<i64: 196, 128>}, {transform_indices = @transform_2, window_bounds = array<i64: 1, 4, 128>}]} {
    %get3A = arith.constant 0 : index
    %get3A_0 = arith.constant 0 : index
    %get3A_1 = arith.constant 0 : index
    %get3A_2 = arith.constant 0 : index
    %get3A_3 = vector.load %arg1[%get3A, %get3A_0, %get3A_1, %get3A_2] : memref<1x4x32x196xf32, #tpu.memory_space<vmem>>, vector<1x1x32x196xf32>
    %get3A_4 = vector.shape_cast %get3A_3 : vector<1x1x32x196xf32> to vector<32x196xf32>
    %iota3A = tpu.iota {dimensions = array<i32: 0>} : vector<196x196xi32>
    %iota3A_5 = tpu.iota {dimensions = array<i32: 1>} : vector<196x196xi32>
    %eq3A = arith.cmpi eq, %iota3A, %iota3A_5 : vector<196x196xi32>
    %convert_element_type3A = arith.extui %eq3A : vector<196x196xi1> to vector<196x196xi32>
    %convert_element_type3A_6 = arith.sitofp %convert_element_type3A : vector<196x196xi32> to vector<196x196xf32>
    %broadcast_in_dim3A = arith.constant 1.000000e+00 : f32
    %broadcast_in_dim3A_7 = vector.broadcast %broadcast_in_dim3A : f32 to vector<1x196xf32>
    %broadcast_in_dim3A_8 = arith.constant 1.000000e+00 : f32
    %broadcast_in_dim3A_9 = vector.broadcast %broadcast_in_dim3A_8 : f32 to vector<196x196xf32>
    %reduce_max3A = arith.constant dense<0xFF800000> : vector<196xf32>
    %reduce_max3A_10 = vector.multi_reduction <maximumf>, %get3A_4, %reduce_max3A [0] : vector<32x196xf32> to vector<196xf32>
    %broadcast_in_dim3A_11 = vector.shape_cast %reduce_max3A_10 : vector<196xf32> to vector<1x196xf32>
    %reduce_sum3A = arith.constant dense<0.000000e+00> : vector<196xf32>
    %reduce_sum3A_12 = vector.multi_reduction <add>, %get3A_4, %reduce_sum3A [0] : vector<32x196xf32> to vector<196xf32>
    %broadcast_in_dim3A_13 = vector.shape_cast %reduce_sum3A_12 : vector<196xf32> to vector<1x196xf32>
    %mul3A = vector.broadcast %broadcast_in_dim3A_11 : vector<1x196xf32> to vector<196x196xf32>
    %mul3A_14 = arith.mulf %mul3A, %convert_element_type3A_6 : vector<196x196xf32>
    %dot_general3A = arith.constant dense<0.000000e+00> : vector<196x196xf32>
    %dot_general3A_15 = tpu.matmul %mul3A_14, %broadcast_in_dim3A_9, %dot_general3A {dimension_numbers = #tpu.dot_dimension_numbers<[1], [0], [0], [1], [0, 0, 1, 1], [], []>, precision = #tpu.contract_precision<fp32>, transpose_lhs_hint = false} : vector<196x196xf32>, vector<196x196xf32>, vector<196x196xf32> -> vector<196x196xf32>
    %mul3A_16 = vector.broadcast %broadcast_in_dim3A_13 : vector<1x196xf32> to vector<196x196xf32>
    %mul3A_17 = arith.mulf %mul3A_16, %convert_element_type3A_6 : vector<196x196xf32>
    %dot_general3A_18 = arith.constant dense<0.000000e+00> : vector<196x196xf32>
    %dot_general3A_19 = tpu.matmul %mul3A_17, %broadcast_in_dim3A_9, %dot_general3A_18 {dimension_numbers = #tpu.dot_dimension_numbers<[1], [0], [0], [1], [0, 0, 1, 1], [], []>, precision = #tpu.contract_precision<fp32>, transpose_lhs_hint = false} : vector<196x196xf32>, vector<196x196xf32>, vector<196x196xf32> -> vector<196x196xf32>
    %gt3A = vector.broadcast %broadcast_in_dim3A_11 : vector<1x196xf32> to vector<196x196xf32>
    %gt3A_20 = arith.cmpf ogt, %dot_general3A_15, %gt3A : vector<196x196xf32>
    %eq3A_21 = vector.broadcast %broadcast_in_dim3A_11 : vector<1x196xf32> to vector<196x196xf32>
    %eq3A_22 = arith.cmpf oeq, %dot_general3A_15, %eq3A_21 : vector<196x196xf32>
    %lt3A = arith.cmpi slt, %iota3A, %iota3A_5 : vector<196x196xi32>
    %and3A = arith.andi %eq3A_22, %lt3A : vector<196x196xi1>
    %or3A = arith.ori %gt3A_20, %and3A : vector<196x196xi1>
    %jit3A = arith.constant 1.000000e+00 : f32
    %jit3A_23 = arith.constant 0.000000e+00 : f32
    %broadcast_in_dim3A_24 = vector.broadcast %jit3A : f32 to vector<196x196xf32>
    %broadcast_in_dim3A_25 = vector.broadcast %jit3A_23 : f32 to vector<196x196xf32>
    %select_n3A = arith.select %or3A, %broadcast_in_dim3A_24, %broadcast_in_dim3A_25 : vector<196x196xi1>, vector<196x196xf32>
    %dot_general3A_26 = arith.constant dense<0.000000e+00> : vector<1x196xf32>
    %dot_general3A_27 = tpu.matmul %broadcast_in_dim3A_7, %select_n3A, %dot_general3A_26 {dimension_numbers = #tpu.dot_dimension_numbers<[1], [0], [0], [1], [0, 0, 1, 1], [], []>, transpose_lhs_hint = false} : vector<1x196xf32>, vector<196x196xf32>, vector<1x196xf32> -> vector<1x196xf32>
    %mul3A_28 = vector.broadcast %dot_general3A_27 : vector<1x196xf32> to vector<196x196xf32>
    %mul3A_29 = arith.mulf %mul3A_28, %convert_element_type3A_6 : vector<196x196xf32>
    %dot_general3A_30 = arith.constant dense<0.000000e+00> : vector<196x196xf32>
    %dot_general3A_31 = tpu.matmul %mul3A_29, %broadcast_in_dim3A_9, %dot_general3A_30 {dimension_numbers = #tpu.dot_dimension_numbers<[1], [0], [0], [1], [0, 0, 1, 1], [], []>, transpose_lhs_hint = false} : vector<196x196xf32>, vector<196x196xf32>, vector<196x196xf32> -> vector<196x196xf32>
    %ge3A = arith.constant 4.700000e+01 : f32
    %ge3A_32 = vector.broadcast %ge3A : f32 to vector<196x196xf32>
    %ge3A_33 = arith.cmpf oge, %dot_general3A_31, %ge3A_32 : vector<196x196xf32>
    %gt3A_34 = vector.broadcast %broadcast_in_dim3A_13 : vector<1x196xf32> to vector<196x196xf32>
    %gt3A_35 = arith.cmpf ogt, %dot_general3A_19, %gt3A_34 : vector<196x196xf32>
    %eq3A_36 = vector.broadcast %broadcast_in_dim3A_13 : vector<1x196xf32> to vector<196x196xf32>
    %eq3A_37 = arith.cmpf oeq, %dot_general3A_19, %eq3A_36 : vector<196x196xf32>
    %lt3A_38 = vector.broadcast %dot_general3A_27 : vector<1x196xf32> to vector<196x196xf32>
    %lt3A_39 = arith.cmpf olt, %dot_general3A_31, %lt3A_38 : vector<196x196xf32>
    %and3A_40 = arith.andi %eq3A_37, %lt3A_39 : vector<196x196xi1>
    %or3A_41 = arith.ori %gt3A_35, %and3A_40 : vector<196x196xi1>
    %and3A_42 = arith.andi %ge3A_33, %or3A_41 : vector<196x196xi1>
    %jit3A_43 = arith.constant 1.000000e+00 : f32
    %jit3A_44 = arith.constant 0.000000e+00 : f32
    %broadcast_in_dim3A_45 = vector.broadcast %jit3A_43 : f32 to vector<196x196xf32>
    %broadcast_in_dim3A_46 = vector.broadcast %jit3A_44 : f32 to vector<196x196xf32>
    %select_n3A_47 = arith.select %and3A_42, %broadcast_in_dim3A_45, %broadcast_in_dim3A_46 : vector<196x196xi1>, vector<196x196xf32>
    %dot_general3A_48 = arith.constant dense<0.000000e+00> : vector<1x196xf32>
    %dot_general3A_49 = tpu.matmul %broadcast_in_dim3A_7, %select_n3A_47, %dot_general3A_48 {dimension_numbers = #tpu.dot_dimension_numbers<[1], [0], [0], [1], [0, 0, 1, 1], [], []>, transpose_lhs_hint = false} : vector<1x196xf32>, vector<196x196xf32>, vector<1x196xf32> -> vector<1x196xf32>
    %lt3A_50 = arith.constant 4.700000e+01 : f32
    %lt3A_51 = vector.broadcast %lt3A_50 : f32 to vector<1x196xf32>
    %lt3A_52 = arith.cmpf olt, %dot_general3A_27, %lt3A_51 : vector<1x196xf32>
    %add3A = arith.constant 4.700000e+01 : f32
    %add3A_53 = vector.broadcast %add3A : f32 to vector<1x196xf32>
    %add3A_54 = arith.addf %add3A_53, %dot_general3A_49 : vector<1x196xf32>
    %select_n3A_55 = arith.select %lt3A_52, %dot_general3A_27, %add3A_54 : vector<1x196xi1>, vector<1x196xf32>
    %mul3A_56 = vector.broadcast %select_n3A_55 : vector<1x196xf32> to vector<196x196xf32>
    %mul3A_57 = arith.mulf %mul3A_56, %convert_element_type3A_6 : vector<196x196xf32>
    %dot_general3A_58 = arith.constant dense<0.000000e+00> : vector<196x196xf32>
    %dot_general3A_59 = tpu.matmul %mul3A_57, %broadcast_in_dim3A_9, %dot_general3A_58 {dimension_numbers = #tpu.dot_dimension_numbers<[1], [0], [0], [1], [0, 0, 1, 1], [], []>, transpose_lhs_hint = false} : vector<196x196xf32>, vector<196x196xf32>, vector<196x196xf32> -> vector<196x196xf32>
    %convert_element_type3A_60 = arith.sitofp %iota3A_5 : vector<196x196xi32> to vector<196x196xf32>
    %eq3A_61 = arith.cmpf oeq, %dot_general3A_59, %convert_element_type3A_60 : vector<196x196xf32>
    %convert_element_type3A_62 = arith.extui %eq3A_61 : vector<196x196xi1> to vector<196x196xi32>
    %convert_element_type3A_63 = arith.sitofp %convert_element_type3A_62 : vector<196x196xi32> to vector<196x196xf32>
    %iota3A_64 = tpu.iota {dimensions = array<i32: 1>} : vector<1x196xi32>
    %convert_element_type3A_65 = arith.sitofp %iota3A_64 : vector<1x196xi32> to vector<1x196xf32>
    %dot_general3A_66 = arith.constant dense<0.000000e+00> : vector<1x196xf32>
    %dot_general3A_67 = tpu.matmul %convert_element_type3A_65, %convert_element_type3A_63, %dot_general3A_66 {dimension_numbers = #tpu.dot_dimension_numbers<[1], [0], [0], [1], [0, 0, 1, 1], [], []>, transpose_lhs_hint = false} : vector<1x196xf32>, vector<196x196xf32>, vector<1x196xf32> -> vector<1x196xf32>
    %get3A_68 = arith.constant 0 : index
    %get3A_69 = arith.constant 0 : index
    %get3A_70 = vector.load %arg2[%get3A_68, %get3A_69] : memref<196x128xf32, #tpu.memory_space<vmem>>, vector<196x128xf32>
    %dot_general3A_71 = arith.constant dense<0.000000e+00> : vector<1x128xf32>
    %dot_general3A_72 = tpu.matmul %dot_general3A_67, %get3A_70, %dot_general3A_71 {dimension_numbers = #tpu.dot_dimension_numbers<[1], [0], [0], [1], [0, 0, 1, 1], [], []>, transpose_lhs_hint = false} : vector<1x196xf32>, vector<196x128xf32>, vector<1x128xf32> -> vector<1x128xf32>
    %convert_element_type3A_73 = arith.fptosi %dot_general3A_72 : vector<1x128xf32> to vector<1x128xi32>
    %squeeze3A = vector.shape_cast %convert_element_type3A_73 : vector<1x128xi32> to vector<128xi32>
    %swap3A = arith.constant 0 : index
    %swap3A_74 = arith.constant 0 : index
    %swap3A_75 = arith.constant 0 : index
    %swap3A_76 = vector.load %arg3[%swap3A, %swap3A_74, %swap3A_75] : memref<1x4x128xi32, #tpu.memory_space<vmem>>, vector<1x1x128xi32>
    %swap3A_77 = vector.shape_cast %swap3A_76 : vector<1x1x128xi32> to vector<128xi32>
    %swap3A_78 = vector.shape_cast %squeeze3A : vector<128xi32> to vector<1x1x128xi32>
    tpu.vector_store %arg3[%swap3A, %swap3A_74, %swap3A_75], %swap3A_78 {strides = array<i32>} : memref<1x4x128xi32, #tpu.memory_space<vmem>>, vector<1x1x128xi32>,
    %get3A_79 = arith.constant 0 : index
    %get3A_80 = arith.constant 1 : index
    %get3A_81 = arith.constant 0 : index
    %get3A_82 = arith.constant 0 : index
    %get3A_83 = vector.load %arg1[%get3A_79, %get3A_80, %get3A_81, %get3A_82] : memref<1x4x32x196xf32, #tpu.memory_space<vmem>>, vector<1x1x32x196xf32>
    %get3A_84 = vector.shape_cast %get3A_83 : vector<1x1x32x196xf32> to vector<32x196xf32>
    %iota3A_85 = tpu.iota {dimensions = array<i32: 0>} : vector<196x196xi32>
    %iota3A_86 = tpu.iota {dimensions = array<i32: 1>} : vector<196x196xi32>
    %eq3A_87 = arith.cmpi eq, %iota3A_85, %iota3A_86 : vector<196x196xi32>
    %convert_element_type3A_88 = arith.extui %eq3A_87 : vector<196x196xi1> to vector<196x196xi32>
    %convert_element_type3A_89 = arith.sitofp %convert_element_type3A_88 : vector<196x196xi32> to vector<196x196xf32>
    %broadcast_in_dim3A_90 = arith.constant 1.000000e+00 : f32
    %broadcast_in_dim3A_91 = vector.broadcast %broadcast_in_dim3A_90 : f32 to vector<1x196xf32>
    %broadcast_in_dim3A_92 = arith.constant 1.000000e+00 : f32
    %broadcast_in_dim3A_93 = vector.broadcast %broadcast_in_dim3A_92 : f32 to vector<196x196xf32>
    %reduce_max3A_94 = arith.constant dense<0xFF800000> : vector<196xf32>
    %reduce_max3A_95 = vector.multi_reduction <maximumf>, %get3A_84, %reduce_max3A_94 [0] : vector<32x196xf32> to vector<196xf32>
    %broadcast_in_dim3A_96 = vector.shape_cast %reduce_max3A_95 : vector<196xf32> to vector<1x196xf32>
    %reduce_sum3A_97 = arith.constant dense<0.000000e+00> : vector<196xf32>
    %reduce_sum3A_98 = vector.multi_reduction <add>, %get3A_84, %reduce_sum3A_97 [0] : vector<32x196xf32> to vector<196xf32>
    %broadcast_in_dim3A_99 = vector.shape_cast %reduce_sum3A_98 : vector<196xf32> to vector<1x196xf32>
    %mul3A_100 = vector.broadcast %broadcast_in_dim3A_96 : vector<1x196xf32> to vector<196x196xf32>
    %mul3A_101 = arith.mulf %mul3A_100, %convert_element_type3A_89 : vector<196x196xf32>
    %dot_general3A_102 = arith.constant dense<0.000000e+00> : vector<196x196xf32>
    %dot_general3A_103 = tpu.matmul %mul3A_101, %broadcast_in_dim3A_93, %dot_general3A_102 {dimension_numbers = #tpu.dot_dimension_numbers<[1], [0], [0], [1], [0, 0, 1, 1], [], []>, precision = #tpu.contract_precision<fp32>, transpose_lhs_hint = false} : vector<196x196xf32>, vector<196x196xf32>, vector<196x196xf32> -> vector<196x196xf32>
    %mul3A_104 = vector.broadcast %broadcast_in_dim3A_99 : vector<1x196xf32> to vector<196x196xf32>
    %mul3A_105 = arith.mulf %mul3A_104, %convert_element_type3A_89 : vector<196x196xf32>
    %dot_general3A_106 = arith.constant dense<0.000000e+00> : vector<196x196xf32>
    %dot_general3A_107 = tpu.matmul %mul3A_105, %broadcast_in_dim3A_93, %dot_general3A_106 {dimension_numbers = #tpu.dot_dimension_numbers<[1], [0], [0], [1], [0, 0, 1, 1], [], []>, precision = #tpu.contract_precision<fp32>, transpose_lhs_hint = false} : vector<196x196xf32>, vector<196x196xf32>, vector<196x196xf32> -> vector<196x196xf32>
    %gt3A_108 = vector.broadcast %broadcast_in_dim3A_96 : vector<1x196xf32> to vector<196x196xf32>
    %gt3A_109 = arith.cmpf ogt, %dot_general3A_103, %gt3A_108 : vector<196x196xf32>
    %eq3A_110 = vector.broadcast %broadcast_in_dim3A_96 : vector<1x196xf32> to vector<196x196xf32>
    %eq3A_111 = arith.cmpf oeq, %dot_general3A_103, %eq3A_110 : vector<196x196xf32>
    %lt3A_112 = arith.cmpi slt, %iota3A_85, %iota3A_86 : vector<196x196xi32>
    %and3A_113 = arith.andi %eq3A_111, %lt3A_112 : vector<196x196xi1>
    %or3A_114 = arith.ori %gt3A_109, %and3A_113 : vector<196x196xi1>
    %jit3A_115 = arith.constant 1.000000e+00 : f32
    %jit3A_116 = arith.constant 0.000000e+00 : f32
    %broadcast_in_dim3A_117 = vector.broadcast %jit3A_115 : f32 to vector<196x196xf32>
    %broadcast_in_dim3A_118 = vector.broadcast %jit3A_116 : f32 to vector<196x196xf32>
    %select_n3A_119 = arith.select %or3A_114, %broadcast_in_dim3A_117, %broadcast_in_dim3A_118 : vector<196x196xi1>, vector<196x196xf32>
    %dot_general3A_120 = arith.constant dense<0.000000e+00> : vector<1x196xf32>
    %dot_general3A_121 = tpu.matmul %broadcast_in_dim3A_91, %select_n3A_119, %dot_general3A_120 {dimension_numbers = #tpu.dot_dimension_numbers<[1], [0], [0], [1], [0, 0, 1, 1], [], []>, transpose_lhs_hint = false} : vector<1x196xf32>, vector<196x196xf32>, vector<1x196xf32> -> vector<1x196xf32>
    %mul3A_122 = vector.broadcast %dot_general3A_121 : vector<1x196xf32> to vector<196x196xf32>
    %mul3A_123 = arith.mulf %mul3A_122, %convert_element_type3A_89 : vector<196x196xf32>
    %dot_general3A_124 = arith.constant dense<0.000000e+00> : vector<196x196xf32>
    %dot_general3A_125 = tpu.matmul %mul3A_123, %broadcast_in_dim3A_93, %dot_general3A_124 {dimension_numbers = #tpu.dot_dimension_numbers<[1], [0], [0], [1], [0, 0, 1, 1], [], []>, transpose_lhs_hint = false} : vector<196x196xf32>, vector<196x196xf32>, vector<196x196xf32> -> vector<196x196xf32>
    %ge3A_126 = arith.constant 4.700000e+01 : f32
    %ge3A_127 = vector.broadcast %ge3A_126 : f32 to vector<196x196xf32>
    %ge3A_128 = arith.cmpf oge, %dot_general3A_125, %ge3A_127 : vector<196x196xf32>
    %gt3A_129 = vector.broadcast %broadcast_in_dim3A_99 : vector<1x196xf32> to vector<196x196xf32>
    %gt3A_130 = arith.cmpf ogt, %dot_general3A_107, %gt3A_129 : vector<196x196xf32>
    %eq3A_131 = vector.broadcast %broadcast_in_dim3A_99 : vector<1x196xf32> to vector<196x196xf32>
    %eq3A_132 = arith.cmpf oeq, %dot_general3A_107, %eq3A_131 : vector<196x196xf32>
    %lt3A_133 = vector.broadcast %dot_general3A_121 : vector<1x196xf32> to vector<196x196xf32>
    %lt3A_134 = arith.cmpf olt, %dot_general3A_125, %lt3A_133 : vector<196x196xf32>
    %and3A_135 = arith.andi %eq3A_132, %lt3A_134 : vector<196x196xi1>
    %or3A_136 = arith.ori %gt3A_130, %and3A_135 : vector<196x196xi1>
    %and3A_137 = arith.andi %ge3A_128, %or3A_136 : vector<196x196xi1>
    %jit3A_138 = arith.constant 1.000000e+00 : f32
    %jit3A_139 = arith.constant 0.000000e+00 : f32
    %broadcast_in_dim3A_140 = vector.broadcast %jit3A_138 : f32 to vector<196x196xf32>
    %broadcast_in_dim3A_141 = vector.broadcast %jit3A_139 : f32 to vector<196x196xf32>
    %select_n3A_142 = arith.select %and3A_137, %broadcast_in_dim3A_140, %broadcast_in_dim3A_141 : vector<196x196xi1>, vector<196x196xf32>
    %dot_general3A_143 = arith.constant dense<0.000000e+00> : vector<1x196xf32>
    %dot_general3A_144 = tpu.matmul %broadcast_in_dim3A_91, %select_n3A_142, %dot_general3A_143 {dimension_numbers = #tpu.dot_dimension_numbers<[1], [0], [0], [1], [0, 0, 1, 1], [], []>, transpose_lhs_hint = false} : vector<1x196xf32>, vector<196x196xf32>, vector<1x196xf32> -> vector<1x196xf32>
    %lt3A_145 = arith.constant 4.700000e+01 : f32
    %lt3A_146 = vector.broadcast %lt3A_145 : f32 to vector<1x196xf32>
    %lt3A_147 = arith.cmpf olt, %dot_general3A_121, %lt3A_146 : vector<1x196xf32>
    %add3A_148 = arith.constant 4.700000e+01 : f32
    %add3A_149 = vector.broadcast %add3A_148 : f32 to vector<1x196xf32>
    %add3A_150 = arith.addf %add3A_149, %dot_general3A_144 : vector<1x196xf32>
    %select_n3A_151 = arith.select %lt3A_147, %dot_general3A_121, %add3A_150 : vector<1x196xi1>, vector<1x196xf32>
    %mul3A_152 = vector.broadcast %select_n3A_151 : vector<1x196xf32> to vector<196x196xf32>
    %mul3A_153 = arith.mulf %mul3A_152, %convert_element_type3A_89 : vector<196x196xf32>
    %dot_general3A_154 = arith.constant dense<0.000000e+00> : vector<196x196xf32>
    %dot_general3A_155 = tpu.matmul %mul3A_153, %broadcast_in_dim3A_93, %dot_general3A_154 {dimension_numbers = #tpu.dot_dimension_numbers<[1], [0], [0], [1], [0, 0, 1, 1], [], []>, transpose_lhs_hint = false} : vector<196x196xf32>, vector<196x196xf32>, vector<196x196xf32> -> vector<196x196xf32>
    %convert_element_type3A_156 = arith.sitofp %iota3A_86 : vector<196x196xi32> to vector<196x196xf32>
    %eq3A_157 = arith.cmpf oeq, %dot_general3A_155, %convert_element_type3A_156 : vector<196x196xf32>
    %convert_element_type3A_158 = arith.extui %eq3A_157 : vector<196x196xi1> to vector<196x196xi32>
    %convert_element_type3A_159 = arith.sitofp %convert_element_type3A_158 : vector<196x196xi32> to vector<196x196xf32>
    %iota3A_160 = tpu.iota {dimensions = array<i32: 1>} : vector<1x196xi32>
    %convert_element_type3A_161 = arith.sitofp %iota3A_160 : vector<1x196xi32> to vector<1x196xf32>
    %dot_general3A_162 = arith.constant dense<0.000000e+00> : vector<1x196xf32>
    %dot_general3A_163 = tpu.matmul %convert_element_type3A_161, %convert_element_type3A_159, %dot_general3A_162 {dimension_numbers = #tpu.dot_dimension_numbers<[1], [0], [0], [1], [0, 0, 1, 1], [], []>, transpose_lhs_hint = false} : vector<1x196xf32>, vector<196x196xf32>, vector<1x196xf32> -> vector<1x196xf32>
    %get3A_164 = arith.constant 0 : index
    %get3A_165 = arith.constant 0 : index
    %get3A_166 = vector.load %arg2[%get3A_164, %get3A_165] : memref<196x128xf32, #tpu.memory_space<vmem>>, vector<196x128xf32>
    %dot_general3A_167 = arith.constant dense<0.000000e+00> : vector<1x128xf32>
    %dot_general3A_168 = tpu.matmul %dot_general3A_163, %get3A_166, %dot_general3A_167 {dimension_numbers = #tpu.dot_dimension_numbers<[1], [0], [0], [1], [0, 0, 1, 1], [], []>, transpose_lhs_hint = false} : vector<1x196xf32>, vector<196x128xf32>, vector<1x128xf32> -> vector<1x128xf32>
    %convert_element_type3A_169 = arith.fptosi %dot_general3A_168 : vector<1x128xf32> to vector<1x128xi32>
    %squeeze3A_170 = vector.shape_cast %convert_element_type3A_169 : vector<1x128xi32> to vector<128xi32>
    %swap3A_171 = arith.constant 0 : index
    %swap3A_172 = arith.constant 1 : index
    %swap3A_173 = arith.constant 0 : index
    %swap3A_174 = vector.load %arg3[%swap3A_171, %swap3A_172, %swap3A_173] : memref<1x4x128xi32, #tpu.memory_space<vmem>>, vector<1x1x128xi32>
    %swap3A_175 = vector.shape_cast %swap3A_174 : vector<1x1x128xi32> to vector<128xi32>
    %swap3A_176 = vector.shape_cast %squeeze3A_170 : vector<128xi32> to vector<1x1x128xi32>
    tpu.vector_store %arg3[%swap3A_171, %swap3A_172, %swap3A_173], %swap3A_176 {strides = array<i32>} : memref<1x4x128xi32, #tpu.memory_space<vmem>>, vector<1x1x128xi32>,
    %get3A_177 = arith.constant 0 : index
    %get3A_178 = arith.constant 2 : index
    %get3A_179 = arith.constant 0 : index
    %get3A_180 = arith.constant 0 : index
    %get3A_181 = vector.load %arg1[%get3A_177, %get3A_178, %get3A_179, %get3A_180] : memref<1x4x32x196xf32, #tpu.memory_space<vmem>>, vector<1x1x32x196xf32>
    %get3A_182 = vector.shape_cast %get3A_181 : vector<1x1x32x196xf32> to vector<32x196xf32>
    %iota3A_183 = tpu.iota {dimensions = array<i32: 0>} : vector<196x196xi32>
    %iota3A_184 = tpu.iota {dimensions = array<i32: 1>} : vector<196x196xi32>
    %eq3A_185 = arith.cmpi eq, %iota3A_183, %iota3A_184 : vector<196x196xi32>
    %convert_element_type3A_186 = arith.extui %eq3A_185 : vector<196x196xi1> to vector<196x196xi32>
    %convert_element_type3A_187 = arith.sitofp %convert_element_type3A_186 : vector<196x196xi32> to vector<196x196xf32>
    %broadcast_in_dim3A_188 = arith.constant 1.000000e+00 : f32
    %broadcast_in_dim3A_189 = vector.broadcast %broadcast_in_dim3A_188 : f32 to vector<1x196xf32>
    %broadcast_in_dim3A_190 = arith.constant 1.000000e+00 : f32
    %broadcast_in_dim3A_191 = vector.broadcast %broadcast_in_dim3A_190 : f32 to vector<196x196xf32>
    %reduce_max3A_192 = arith.constant dense<0xFF800000> : vector<196xf32>
    %reduce_max3A_193 = vector.multi_reduction <maximumf>, %get3A_182, %reduce_max3A_192 [0] : vector<32x196xf32> to vector<196xf32>
    %broadcast_in_dim3A_194 = vector.shape_cast %reduce_max3A_193 : vector<196xf32> to vector<1x196xf32>
    %reduce_sum3A_195 = arith.constant dense<0.000000e+00> : vector<196xf32>
    %reduce_sum3A_196 = vector.multi_reduction <add>, %get3A_182, %reduce_sum3A_195 [0] : vector<32x196xf32> to vector<196xf32>
    %broadcast_in_dim3A_197 = vector.shape_cast %reduce_sum3A_196 : vector<196xf32> to vector<1x196xf32>
    %mul3A_198 = vector.broadcast %broadcast_in_dim3A_194 : vector<1x196xf32> to vector<196x196xf32>
    %mul3A_199 = arith.mulf %mul3A_198, %convert_element_type3A_187 : vector<196x196xf32>
    %dot_general3A_200 = arith.constant dense<0.000000e+00> : vector<196x196xf32>
    %dot_general3A_201 = tpu.matmul %mul3A_199, %broadcast_in_dim3A_191, %dot_general3A_200 {dimension_numbers = #tpu.dot_dimension_numbers<[1], [0], [0], [1], [0, 0, 1, 1], [], []>, precision = #tpu.contract_precision<fp32>, transpose_lhs_hint = false} : vector<196x196xf32>, vector<196x196xf32>, vector<196x196xf32> -> vector<196x196xf32>
    %mul3A_202 = vector.broadcast %broadcast_in_dim3A_197 : vector<1x196xf32> to vector<196x196xf32>
    %mul3A_203 = arith.mulf %mul3A_202, %convert_element_type3A_187 : vector<196x196xf32>
    %dot_general3A_204 = arith.constant dense<0.000000e+00> : vector<196x196xf32>
    %dot_general3A_205 = tpu.matmul %mul3A_203, %broadcast_in_dim3A_191, %dot_general3A_204 {dimension_numbers = #tpu.dot_dimension_numbers<[1], [0], [0], [1], [0, 0, 1, 1], [], []>, precision = #tpu.contract_precision<fp32>, transpose_lhs_hint = false} : vector<196x196xf32>, vector<196x196xf32>, vector<196x196xf32> -> vector<196x196xf32>
    %gt3A_206 = vector.broadcast %broadcast_in_dim3A_194 : vector<1x196xf32> to vector<196x196xf32>
    %gt3A_207 = arith.cmpf ogt, %dot_general3A_201, %gt3A_206 : vector<196x196xf32>
    %eq3A_208 = vector.broadcast %broadcast_in_dim3A_194 : vector<1x196xf32> to vector<196x196xf32>
    %eq3A_209 = arith.cmpf oeq, %dot_general3A_201, %eq3A_208 : vector<196x196xf32>
    %lt3A_210 = arith.cmpi slt, %iota3A_183, %iota3A_184 : vector<196x196xi32>
    %and3A_211 = arith.andi %eq3A_209, %lt3A_210 : vector<196x196xi1>
    %or3A_212 = arith.ori %gt3A_207, %and3A_211 : vector<196x196xi1>
    %jit3A_213 = arith.constant 1.000000e+00 : f32
    %jit3A_214 = arith.constant 0.000000e+00 : f32
    %broadcast_in_dim3A_215 = vector.broadcast %jit3A_213 : f32 to vector<196x196xf32>
    %broadcast_in_dim3A_216 = vector.broadcast %jit3A_214 : f32 to vector<196x196xf32>
    %select_n3A_217 = arith.select %or3A_212, %broadcast_in_dim3A_215, %broadcast_in_dim3A_216 : vector<196x196xi1>, vector<196x196xf32>
    %dot_general3A_218 = arith.constant dense<0.000000e+00> : vector<1x196xf32>
    %dot_general3A_219 = tpu.matmul %broadcast_in_dim3A_189, %select_n3A_217, %dot_general3A_218 {dimension_numbers = #tpu.dot_dimension_numbers<[1], [0], [0], [1], [0, 0, 1, 1], [], []>, transpose_lhs_hint = false} : vector<1x196xf32>, vector<196x196xf32>, vector<1x196xf32> -> vector<1x196xf32>
    %mul3A_220 = vector.broadcast %dot_general3A_219 : vector<1x196xf32> to vector<196x196xf32>
    %mul3A_221 = arith.mulf %mul3A_220, %convert_element_type3A_187 : vector<196x196xf32>
    %dot_general3A_222 = arith.constant dense<0.000000e+00> : vector<196x196xf32>
    %dot_general3A_223 = tpu.matmul %mul3A_221, %broadcast_in_dim3A_191, %dot_general3A_222 {dimension_numbers = #tpu.dot_dimension_numbers<[1], [0], [0], [1], [0, 0, 1, 1], [], []>, transpose_lhs_hint = false} : vector<196x196xf32>, vector<196x196xf32>, vector<196x196xf32> -> vector<196x196xf32>
    %ge3A_224 = arith.constant 4.700000e+01 : f32
    %ge3A_225 = vector.broadcast %ge3A_224 : f32 to vector<196x196xf32>
    %ge3A_226 = arith.cmpf oge, %dot_general3A_223, %ge3A_225 : vector<196x196xf32>
    %gt3A_227 = vector.broadcast %broadcast_in_dim3A_197 : vector<1x196xf32> to vector<196x196xf32>
    %gt3A_228 = arith.cmpf ogt, %dot_general3A_205, %gt3A_227 : vector<196x196xf32>
    %eq3A_229 = vector.broadcast %broadcast_in_dim3A_197 : vector<1x196xf32> to vector<196x196xf32>
    %eq3A_230 = arith.cmpf oeq, %dot_general3A_205, %eq3A_229 : vector<196x196xf32>
    %lt3A_231 = vector.broadcast %dot_general3A_219 : vector<1x196xf32> to vector<196x196xf32>
    %lt3A_232 = arith.cmpf olt, %dot_general3A_223, %lt3A_231 : vector<196x196xf32>
    %and3A_233 = arith.andi %eq3A_230, %lt3A_232 : vector<196x196xi1>
    %or3A_234 = arith.ori %gt3A_228, %and3A_233 : vector<196x196xi1>
    %and3A_235 = arith.andi %ge3A_226, %or3A_234 : vector<196x196xi1>
    %jit3A_236 = arith.constant 1.000000e+00 : f32
    %jit3A_237 = arith.constant 0.000000e+00 : f32
    %broadcast_in_dim3A_238 = vector.broadcast %jit3A_236 : f32 to vector<196x196xf32>
    %broadcast_in_dim3A_239 = vector.broadcast %jit3A_237 : f32 to vector<196x196xf32>
    %select_n3A_240 = arith.select %and3A_235, %broadcast_in_dim3A_238, %broadcast_in_dim3A_239 : vector<196x196xi1>, vector<196x196xf32>
    %dot_general3A_241 = arith.constant dense<0.000000e+00> : vector<1x196xf32>
    %dot_general3A_242 = tpu.matmul %broadcast_in_dim3A_189, %select_n3A_240, %dot_general3A_241 {dimension_numbers = #tpu.dot_dimension_numbers<[1], [0], [0], [1], [0, 0, 1, 1], [], []>, transpose_lhs_hint = false} : vector<1x196xf32>, vector<196x196xf32>, vector<1x196xf32> -> vector<1x196xf32>
    %lt3A_243 = arith.constant 4.700000e+01 : f32
    %lt3A_244 = vector.broadcast %lt3A_243 : f32 to vector<1x196xf32>
    %lt3A_245 = arith.cmpf olt, %dot_general3A_219, %lt3A_244 : vector<1x196xf32>
    %add3A_246 = arith.constant 4.700000e+01 : f32
    %add3A_247 = vector.broadcast %add3A_246 : f32 to vector<1x196xf32>
    %add3A_248 = arith.addf %add3A_247, %dot_general3A_242 : vector<1x196xf32>
    %select_n3A_249 = arith.select %lt3A_245, %dot_general3A_219, %add3A_248 : vector<1x196xi1>, vector<1x196xf32>
    %mul3A_250 = vector.broadcast %select_n3A_249 : vector<1x196xf32> to vector<196x196xf32>
    %mul3A_251 = arith.mulf %mul3A_250, %convert_element_type3A_187 : vector<196x196xf32>
    %dot_general3A_252 = arith.constant dense<0.000000e+00> : vector<196x196xf32>
    %dot_general3A_253 = tpu.matmul %mul3A_251, %broadcast_in_dim3A_191, %dot_general3A_252 {dimension_numbers = #tpu.dot_dimension_numbers<[1], [0], [0], [1], [0, 0, 1, 1], [], []>, transpose_lhs_hint = false} : vector<196x196xf32>, vector<196x196xf32>, vector<196x196xf32> -> vector<196x196xf32>
    %convert_element_type3A_254 = arith.sitofp %iota3A_184 : vector<196x196xi32> to vector<196x196xf32>
    %eq3A_255 = arith.cmpf oeq, %dot_general3A_253, %convert_element_type3A_254 : vector<196x196xf32>
    %convert_element_type3A_256 = arith.extui %eq3A_255 : vector<196x196xi1> to vector<196x196xi32>
    %convert_element_type3A_257 = arith.sitofp %convert_element_type3A_256 : vector<196x196xi32> to vector<196x196xf32>
    %iota3A_258 = tpu.iota {dimensions = array<i32: 1>} : vector<1x196xi32>
    %convert_element_type3A_259 = arith.sitofp %iota3A_258 : vector<1x196xi32> to vector<1x196xf32>
    %dot_general3A_260 = arith.constant dense<0.000000e+00> : vector<1x196xf32>
    %dot_general3A_261 = tpu.matmul %convert_element_type3A_259, %convert_element_type3A_257, %dot_general3A_260 {dimension_numbers = #tpu.dot_dimension_numbers<[1], [0], [0], [1], [0, 0, 1, 1], [], []>, transpose_lhs_hint = false} : vector<1x196xf32>, vector<196x196xf32>, vector<1x196xf32> -> vector<1x196xf32>
    %get3A_262 = arith.constant 0 : index
    %get3A_263 = arith.constant 0 : index
    %get3A_264 = vector.load %arg2[%get3A_262, %get3A_263] : memref<196x128xf32, #tpu.memory_space<vmem>>, vector<196x128xf32>
    %dot_general3A_265 = arith.constant dense<0.000000e+00> : vector<1x128xf32>
    %dot_general3A_266 = tpu.matmul %dot_general3A_261, %get3A_264, %dot_general3A_265 {dimension_numbers = #tpu.dot_dimension_numbers<[1], [0], [0], [1], [0, 0, 1, 1], [], []>, transpose_lhs_hint = false} : vector<1x196xf32>, vector<196x128xf32>, vector<1x128xf32> -> vector<1x128xf32>
    %convert_element_type3A_267 = arith.fptosi %dot_general3A_266 : vector<1x128xf32> to vector<1x128xi32>
    %squeeze3A_268 = vector.shape_cast %convert_element_type3A_267 : vector<1x128xi32> to vector<128xi32>
    %swap3A_269 = arith.constant 0 : index
    %swap3A_270 = arith.constant 2 : index
    %swap3A_271 = arith.constant 0 : index
    %swap3A_272 = vector.load %arg3[%swap3A_269, %swap3A_270, %swap3A_271] : memref<1x4x128xi32, #tpu.memory_space<vmem>>, vector<1x1x128xi32>
    %swap3A_273 = vector.shape_cast %swap3A_272 : vector<1x1x128xi32> to vector<128xi32>
    %swap3A_274 = vector.shape_cast %squeeze3A_268 : vector<128xi32> to vector<1x1x128xi32>
    tpu.vector_store %arg3[%swap3A_269, %swap3A_270, %swap3A_271], %swap3A_274 {strides = array<i32>} : memref<1x4x128xi32, #tpu.memory_space<vmem>>, vector<1x1x128xi32>,
    %get3A_275 = arith.constant 0 : index
    %get3A_276 = arith.constant 3 : index
    %get3A_277 = arith.constant 0 : index
    %get3A_278 = arith.constant 0 : index
    %get3A_279 = vector.load %arg1[%get3A_275, %get3A_276, %get3A_277, %get3A_278] : memref<1x4x32x196xf32, #tpu.memory_space<vmem>>, vector<1x1x32x196xf32>
    %get3A_280 = vector.shape_cast %get3A_279 : vector<1x1x32x196xf32> to vector<32x196xf32>
    %iota3A_281 = tpu.iota {dimensions = array<i32: 0>} : vector<196x196xi32>
    %iota3A_282 = tpu.iota {dimensions = array<i32: 1>} : vector<196x196xi32>
    %eq3A_283 = arith.cmpi eq, %iota3A_281, %iota3A_282 : vector<196x196xi32>
    %convert_element_type3A_284 = arith.extui %eq3A_283 : vector<196x196xi1> to vector<196x196xi32>
    %convert_element_type3A_285 = arith.sitofp %convert_element_type3A_284 : vector<196x196xi32> to vector<196x196xf32>
    %broadcast_in_dim3A_286 = arith.constant 1.000000e+00 : f32
    %broadcast_in_dim3A_287 = vector.broadcast %broadcast_in_dim3A_286 : f32 to vector<1x196xf32>
    %broadcast_in_dim3A_288 = arith.constant 1.000000e+00 : f32
    %broadcast_in_dim3A_289 = vector.broadcast %broadcast_in_dim3A_288 : f32 to vector<196x196xf32>
    %reduce_max3A_290 = arith.constant dense<0xFF800000> : vector<196xf32>
    %reduce_max3A_291 = vector.multi_reduction <maximumf>, %get3A_280, %reduce_max3A_290 [0] : vector<32x196xf32> to vector<196xf32>
    %broadcast_in_dim3A_292 = vector.shape_cast %reduce_max3A_291 : vector<196xf32> to vector<1x196xf32>
    %reduce_sum3A_293 = arith.constant dense<0.000000e+00> : vector<196xf32>
    %reduce_sum3A_294 = vector.multi_reduction <add>, %get3A_280, %reduce_sum3A_293 [0] : vector<32x196xf32> to vector<196xf32>
    %broadcast_in_dim3A_295 = vector.shape_cast %reduce_sum3A_294 : vector<196xf32> to vector<1x196xf32>
    %mul3A_296 = vector.broadcast %broadcast_in_dim3A_292 : vector<1x196xf32> to vector<196x196xf32>
    %mul3A_297 = arith.mulf %mul3A_296, %convert_element_type3A_285 : vector<196x196xf32>
    %dot_general3A_298 = arith.constant dense<0.000000e+00> : vector<196x196xf32>
    %dot_general3A_299 = tpu.matmul %mul3A_297, %broadcast_in_dim3A_289, %dot_general3A_298 {dimension_numbers = #tpu.dot_dimension_numbers<[1], [0], [0], [1], [0, 0, 1, 1], [], []>, precision = #tpu.contract_precision<fp32>, transpose_lhs_hint = false} : vector<196x196xf32>, vector<196x196xf32>, vector<196x196xf32> -> vector<196x196xf32>
    %mul3A_300 = vector.broadcast %broadcast_in_dim3A_295 : vector<1x196xf32> to vector<196x196xf32>
    %mul3A_301 = arith.mulf %mul3A_300, %convert_element_type3A_285 : vector<196x196xf32>
    %dot_general3A_302 = arith.constant dense<0.000000e+00> : vector<196x196xf32>
    %dot_general3A_303 = tpu.matmul %mul3A_301, %broadcast_in_dim3A_289, %dot_general3A_302 {dimension_numbers = #tpu.dot_dimension_numbers<[1], [0], [0], [1], [0, 0, 1, 1], [], []>, precision = #tpu.contract_precision<fp32>, transpose_lhs_hint = false} : vector<196x196xf32>, vector<196x196xf32>, vector<196x196xf32> -> vector<196x196xf32>
    %gt3A_304 = vector.broadcast %broadcast_in_dim3A_292 : vector<1x196xf32> to vector<196x196xf32>
    %gt3A_305 = arith.cmpf ogt, %dot_general3A_299, %gt3A_304 : vector<196x196xf32>
    %eq3A_306 = vector.broadcast %broadcast_in_dim3A_292 : vector<1x196xf32> to vector<196x196xf32>
    %eq3A_307 = arith.cmpf oeq, %dot_general3A_299, %eq3A_306 : vector<196x196xf32>
    %lt3A_308 = arith.cmpi slt, %iota3A_281, %iota3A_282 : vector<196x196xi32>
    %and3A_309 = arith.andi %eq3A_307, %lt3A_308 : vector<196x196xi1>
    %or3A_310 = arith.ori %gt3A_305, %and3A_309 : vector<196x196xi1>
    %jit3A_311 = arith.constant 1.000000e+00 : f32
    %jit3A_312 = arith.constant 0.000000e+00 : f32
    %broadcast_in_dim3A_313 = vector.broadcast %jit3A_311 : f32 to vector<196x196xf32>
    %broadcast_in_dim3A_314 = vector.broadcast %jit3A_312 : f32 to vector<196x196xf32>
    %select_n3A_315 = arith.select %or3A_310, %broadcast_in_dim3A_313, %broadcast_in_dim3A_314 : vector<196x196xi1>, vector<196x196xf32>
    %dot_general3A_316 = arith.constant dense<0.000000e+00> : vector<1x196xf32>
    %dot_general3A_317 = tpu.matmul %broadcast_in_dim3A_287, %select_n3A_315, %dot_general3A_316 {dimension_numbers = #tpu.dot_dimension_numbers<[1], [0], [0], [1], [0, 0, 1, 1], [], []>, transpose_lhs_hint = false} : vector<1x196xf32>, vector<196x196xf32>, vector<1x196xf32> -> vector<1x196xf32>
    %mul3A_318 = vector.broadcast %dot_general3A_317 : vector<1x196xf32> to vector<196x196xf32>
    %mul3A_319 = arith.mulf %mul3A_318, %convert_element_type3A_285 : vector<196x196xf32>
    %dot_general3A_320 = arith.constant dense<0.000000e+00> : vector<196x196xf32>
    %dot_general3A_321 = tpu.matmul %mul3A_319, %broadcast_in_dim3A_289, %dot_general3A_320 {dimension_numbers = #tpu.dot_dimension_numbers<[1], [0], [0], [1], [0, 0, 1, 1], [], []>, transpose_lhs_hint = false} : vector<196x196xf32>, vector<196x196xf32>, vector<196x196xf32> -> vector<196x196xf32>
    %ge3A_322 = arith.constant 4.700000e+01 : f32
    %ge3A_323 = vector.broadcast %ge3A_322 : f32 to vector<196x196xf32>
    %ge3A_324 = arith.cmpf oge, %dot_general3A_321, %ge3A_323 : vector<196x196xf32>
    %gt3A_325 = vector.broadcast %broadcast_in_dim3A_295 : vector<1x196xf32> to vector<196x196xf32>
    %gt3A_326 = arith.cmpf ogt, %dot_general3A_303, %gt3A_325 : vector<196x196xf32>
    %eq3A_327 = vector.broadcast %broadcast_in_dim3A_295 : vector<1x196xf32> to vector<196x196xf32>
    %eq3A_328 = arith.cmpf oeq, %dot_general3A_303, %eq3A_327 : vector<196x196xf32>
    %lt3A_329 = vector.broadcast %dot_general3A_317 : vector<1x196xf32> to vector<196x196xf32>
    %lt3A_330 = arith.cmpf olt, %dot_general3A_321, %lt3A_329 : vector<196x196xf32>
    %and3A_331 = arith.andi %eq3A_328, %lt3A_330 : vector<196x196xi1>
    %or3A_332 = arith.ori %gt3A_326, %and3A_331 : vector<196x196xi1>
    %and3A_333 = arith.andi %ge3A_324, %or3A_332 : vector<196x196xi1>
    %jit3A_334 = arith.constant 1.000000e+00 : f32
    %jit3A_335 = arith.constant 0.000000e+00 : f32
    %broadcast_in_dim3A_336 = vector.broadcast %jit3A_334 : f32 to vector<196x196xf32>
    %broadcast_in_dim3A_337 = vector.broadcast %jit3A_335 : f32 to vector<196x196xf32>
    %select_n3A_338 = arith.select %and3A_333, %broadcast_in_dim3A_336, %broadcast_in_dim3A_337 : vector<196x196xi1>, vector<196x196xf32>
    %dot_general3A_339 = arith.constant dense<0.000000e+00> : vector<1x196xf32>
    %dot_general3A_340 = tpu.matmul %broadcast_in_dim3A_287, %select_n3A_338, %dot_general3A_339 {dimension_numbers = #tpu.dot_dimension_numbers<[1], [0], [0], [1], [0, 0, 1, 1], [], []>, transpose_lhs_hint = false} : vector<1x196xf32>, vector<196x196xf32>, vector<1x196xf32> -> vector<1x196xf32>
    %lt3A_341 = arith.constant 4.700000e+01 : f32
    %lt3A_342 = vector.broadcast %lt3A_341 : f32 to vector<1x196xf32>
    %lt3A_343 = arith.cmpf olt, %dot_general3A_317, %lt3A_342 : vector<1x196xf32>
    %add3A_344 = arith.constant 4.700000e+01 : f32
    %add3A_345 = vector.broadcast %add3A_344 : f32 to vector<1x196xf32>
    %add3A_346 = arith.addf %add3A_345, %dot_general3A_340 : vector<1x196xf32>
    %select_n3A_347 = arith.select %lt3A_343, %dot_general3A_317, %add3A_346 : vector<1x196xi1>, vector<1x196xf32>
    %mul3A_348 = vector.broadcast %select_n3A_347 : vector<1x196xf32> to vector<196x196xf32>
    %mul3A_349 = arith.mulf %mul3A_348, %convert_element_type3A_285 : vector<196x196xf32>
    %dot_general3A_350 = arith.constant dense<0.000000e+00> : vector<196x196xf32>
    %dot_general3A_351 = tpu.matmul %mul3A_349, %broadcast_in_dim3A_289, %dot_general3A_350 {dimension_numbers = #tpu.dot_dimension_numbers<[1], [0], [0], [1], [0, 0, 1, 1], [], []>, transpose_lhs_hint = false} : vector<196x196xf32>, vector<196x196xf32>, vector<196x196xf32> -> vector<196x196xf32>
    %convert_element_type3A_352 = arith.sitofp %iota3A_282 : vector<196x196xi32> to vector<196x196xf32>
    %eq3A_353 = arith.cmpf oeq, %dot_general3A_351, %convert_element_type3A_352 : vector<196x196xf32>
    %convert_element_type3A_354 = arith.extui %eq3A_353 : vector<196x196xi1> to vector<196x196xi32>
    %convert_element_type3A_355 = arith.sitofp %convert_element_type3A_354 : vector<196x196xi32> to vector<196x196xf32>
    %iota3A_356 = tpu.iota {dimensions = array<i32: 1>} : vector<1x196xi32>
    %convert_element_type3A_357 = arith.sitofp %iota3A_356 : vector<1x196xi32> to vector<1x196xf32>
    %dot_general3A_358 = arith.constant dense<0.000000e+00> : vector<1x196xf32>
    %dot_general3A_359 = tpu.matmul %convert_element_type3A_357, %convert_element_type3A_355, %dot_general3A_358 {dimension_numbers = #tpu.dot_dimension_numbers<[1], [0], [0], [1], [0, 0, 1, 1], [], []>, transpose_lhs_hint = false} : vector<1x196xf32>, vector<196x196xf32>, vector<1x196xf32> -> vector<1x196xf32>
    %get3A_360 = arith.constant 0 : index
    %get3A_361 = arith.constant 0 : index
    %get3A_362 = vector.load %arg2[%get3A_360, %get3A_361] : memref<196x128xf32, #tpu.memory_space<vmem>>, vector<196x128xf32>
    %dot_general3A_363 = arith.constant dense<0.000000e+00> : vector<1x128xf32>
    %dot_general3A_364 = tpu.matmul %dot_general3A_359, %get3A_362, %dot_general3A_363 {dimension_numbers = #tpu.dot_dimension_numbers<[1], [0], [0], [1], [0, 0, 1, 1], [], []>, transpose_lhs_hint = false} : vector<1x196xf32>, vector<196x128xf32>, vector<1x128xf32> -> vector<1x128xf32>
    %convert_element_type3A_365 = arith.fptosi %dot_general3A_364 : vector<1x128xf32> to vector<1x128xi32>
    %squeeze3A_366 = vector.shape_cast %convert_element_type3A_365 : vector<1x128xi32> to vector<128xi32>
    %swap3A_367 = arith.constant 0 : index
    %swap3A_368 = arith.constant 3 : index
    %swap3A_369 = arith.constant 0 : index
    %swap3A_370 = vector.load %arg3[%swap3A_367, %swap3A_368, %swap3A_369] : memref<1x4x128xi32, #tpu.memory_space<vmem>>, vector<1x1x128xi32>
    %swap3A_371 = vector.shape_cast %swap3A_370 : vector<1x1x128xi32> to vector<128xi32>
    %swap3A_372 = vector.shape_cast %squeeze3A_366 : vector<128xi32> to vector<1x1x128xi32>
    tpu.vector_store %arg3[%swap3A_367, %swap3A_368, %swap3A_369], %swap3A_372 {strides = array<i32>} : memref<1x4x128xi32, #tpu.memory_space<vmem>>, vector<1x1x128xi32>,
    return
  }
  func.func @transform_0(%arg0: i32) -> (i32, i32, i32, i32) {
    %c0_i32 = arith.constant 0 : i32
    %c0_i32_0 = arith.constant 0 : i32
    %c0_i32_1 = arith.constant 0 : i32
    %c0_i32_2 = arith.constant 0 : i32
    return %arg0, %c0_i32, %c0_i32_0, %c0_i32_1 : i32, i32, i32, i32
  }
  func.func @transform_1(%arg0: i32) -> (i32, i32) {
    %c0_i32 = arith.constant 0 : i32
    %c0_i32_0 = arith.constant 0 : i32
    %c0_i32_1 = arith.constant 0 : i32
    return %c0_i32, %c0_i32_0 : i32, i32
  }
  func.func @transform_2(%arg0: i32) -> (i32, i32, i32) {
    %c0_i32 = arith.constant 0 : i32
    %c0_i32_0 = arith.constant 0 : i32
    %c0_i32_1 = arith.constant 0 : i32
    return %arg0, %c0_i32, %c0_i32_0 : i32, i32, i32
  }
}

module attributes {stable_mosaic.version = 14 : i64} {
  func.func @_fused_body(%arg0: i32, %arg1: memref<1x4x32x196xf32, #tpu.memory_space<vmem>>, %arg2: memref<1x4x196x512xf32, #tpu.memory_space<vmem>>, %arg3: memref<196x128xf32, #tpu.memory_space<vmem>>, %arg4: memref<1x4x32x16x128xf32, #tpu.memory_space<vmem>>) attributes {dimension_semantics = [#tpu.dimension_semantics<arbitrary>], iteration_bounds = array<i64: 48>, scalar_prefetch = 0 : i64, scratch_operands = 0 : i64, tpu.core_type = #tpu.core_type<tc>, window_params = [{transform_indices = @transform_0, window_bounds = array<i64: 1, 4, 32, 196>}, {transform_indices = @transform_1, window_bounds = array<i64: 1, 4, 196, 512>}, {pipeline_mode = #tpu.pipeline_mode<synchronous>, transform_indices = @transform_2, window_bounds = array<i64: 196, 128>}, {transform_indices = @transform_3, window_bounds = array<i64: 1, 4, 32, 16, 128>}]} {
    %get3A = arith.constant 0 : index
    %get3A_0 = arith.constant 0 : index
    %get3A_1 = arith.constant 0 : index
    %get3A_2 = arith.constant 0 : index
    %get3A_3 = vector.load %arg1[%get3A, %get3A_0, %get3A_1, %get3A_2] : memref<1x4x32x196xf32, #tpu.memory_space<vmem>>, vector<1x1x32x196xf32>
    %get3A_4 = vector.shape_cast %get3A_3 : vector<1x1x32x196xf32> to vector<32x196xf32>
    %iota3A = tpu.iota {dimensions = array<i32: 0>} : vector<196x196xi32>
    %iota3A_5 = tpu.iota {dimensions = array<i32: 1>} : vector<196x196xi32>
    %eq3A = arith.cmpi eq, %iota3A, %iota3A_5 : vector<196x196xi32>
    %convert_element_type3A = arith.extui %eq3A : vector<196x196xi1> to vector<196x196xi32>
    %convert_element_type3A_6 = arith.sitofp %convert_element_type3A : vector<196x196xi32> to vector<196x196xf32>
    %broadcast_in_dim3A = arith.constant 1.000000e+00 : f32
    %broadcast_in_dim3A_7 = vector.broadcast %broadcast_in_dim3A : f32 to vector<1x196xf32>
    %broadcast_in_dim3A_8 = arith.constant 1.000000e+00 : f32
    %broadcast_in_dim3A_9 = vector.broadcast %broadcast_in_dim3A_8 : f32 to vector<196x196xf32>
    %reduce_max3A = arith.constant dense<0xFF800000> : vector<196xf32>
    %reduce_max3A_10 = vector.multi_reduction <maximumf>, %get3A_4, %reduce_max3A [0] : vector<32x196xf32> to vector<196xf32>
    %broadcast_in_dim3A_11 = vector.shape_cast %reduce_max3A_10 : vector<196xf32> to vector<1x196xf32>
    %reduce_sum3A = arith.constant dense<0.000000e+00> : vector<196xf32>
    %reduce_sum3A_12 = vector.multi_reduction <add>, %get3A_4, %reduce_sum3A [0] : vector<32x196xf32> to vector<196xf32>
    %broadcast_in_dim3A_13 = vector.shape_cast %reduce_sum3A_12 : vector<196xf32> to vector<1x196xf32>
    %mul3A = vector.broadcast %broadcast_in_dim3A_11 : vector<1x196xf32> to vector<196x196xf32>
    %mul3A_14 = arith.mulf %mul3A, %convert_element_type3A_6 : vector<196x196xf32>
    %dot_general3A = arith.constant dense<0.000000e+00> : vector<196x196xf32>
    %dot_general3A_15 = tpu.matmul %mul3A_14, %broadcast_in_dim3A_9, %dot_general3A {dimension_numbers = #tpu.dot_dimension_numbers<[1], [0], [0], [1], [0, 0, 1, 1], [], []>, precision = #tpu.contract_precision<fp32>, transpose_lhs_hint = false} : vector<196x196xf32>, vector<196x196xf32>, vector<196x196xf32> -> vector<196x196xf32>
    %mul3A_16 = vector.broadcast %broadcast_in_dim3A_13 : vector<1x196xf32> to vector<196x196xf32>
    %mul3A_17 = arith.mulf %mul3A_16, %convert_element_type3A_6 : vector<196x196xf32>
    %dot_general3A_18 = arith.constant dense<0.000000e+00> : vector<196x196xf32>
    %dot_general3A_19 = tpu.matmul %mul3A_17, %broadcast_in_dim3A_9, %dot_general3A_18 {dimension_numbers = #tpu.dot_dimension_numbers<[1], [0], [0], [1], [0, 0, 1, 1], [], []>, precision = #tpu.contract_precision<fp32>, transpose_lhs_hint = false} : vector<196x196xf32>, vector<196x196xf32>, vector<196x196xf32> -> vector<196x196xf32>
    %gt3A = vector.broadcast %broadcast_in_dim3A_11 : vector<1x196xf32> to vector<196x196xf32>
    %gt3A_20 = arith.cmpf ogt, %dot_general3A_15, %gt3A : vector<196x196xf32>
    %eq3A_21 = vector.broadcast %broadcast_in_dim3A_11 : vector<1x196xf32> to vector<196x196xf32>
    %eq3A_22 = arith.cmpf oeq, %dot_general3A_15, %eq3A_21 : vector<196x196xf32>
    %lt3A = arith.cmpi slt, %iota3A, %iota3A_5 : vector<196x196xi32>
    %and3A = arith.andi %eq3A_22, %lt3A : vector<196x196xi1>
    %or3A = arith.ori %gt3A_20, %and3A : vector<196x196xi1>
    %jit3A = arith.constant 1.000000e+00 : f32
    %jit3A_23 = arith.constant 0.000000e+00 : f32
    %broadcast_in_dim3A_24 = vector.broadcast %jit3A : f32 to vector<196x196xf32>
    %broadcast_in_dim3A_25 = vector.broadcast %jit3A_23 : f32 to vector<196x196xf32>
    %select_n3A = arith.select %or3A, %broadcast_in_dim3A_24, %broadcast_in_dim3A_25 : vector<196x196xi1>, vector<196x196xf32>
    %dot_general3A_26 = arith.constant dense<0.000000e+00> : vector<1x196xf32>
    %dot_general3A_27 = tpu.matmul %broadcast_in_dim3A_7, %select_n3A, %dot_general3A_26 {dimension_numbers = #tpu.dot_dimension_numbers<[1], [0], [0], [1], [0, 0, 1, 1], [], []>, transpose_lhs_hint = false} : vector<1x196xf32>, vector<196x196xf32>, vector<1x196xf32> -> vector<1x196xf32>
    %mul3A_28 = vector.broadcast %dot_general3A_27 : vector<1x196xf32> to vector<196x196xf32>
    %mul3A_29 = arith.mulf %mul3A_28, %convert_element_type3A_6 : vector<196x196xf32>
    %dot_general3A_30 = arith.constant dense<0.000000e+00> : vector<196x196xf32>
    %dot_general3A_31 = tpu.matmul %mul3A_29, %broadcast_in_dim3A_9, %dot_general3A_30 {dimension_numbers = #tpu.dot_dimension_numbers<[1], [0], [0], [1], [0, 0, 1, 1], [], []>, transpose_lhs_hint = false} : vector<196x196xf32>, vector<196x196xf32>, vector<196x196xf32> -> vector<196x196xf32>
    %ge3A = arith.constant 4.700000e+01 : f32
    %ge3A_32 = vector.broadcast %ge3A : f32 to vector<196x196xf32>
    %ge3A_33 = arith.cmpf oge, %dot_general3A_31, %ge3A_32 : vector<196x196xf32>
    %gt3A_34 = vector.broadcast %broadcast_in_dim3A_13 : vector<1x196xf32> to vector<196x196xf32>
    %gt3A_35 = arith.cmpf ogt, %dot_general3A_19, %gt3A_34 : vector<196x196xf32>
    %eq3A_36 = vector.broadcast %broadcast_in_dim3A_13 : vector<1x196xf32> to vector<196x196xf32>
    %eq3A_37 = arith.cmpf oeq, %dot_general3A_19, %eq3A_36 : vector<196x196xf32>
    %lt3A_38 = vector.broadcast %dot_general3A_27 : vector<1x196xf32> to vector<196x196xf32>
    %lt3A_39 = arith.cmpf olt, %dot_general3A_31, %lt3A_38 : vector<196x196xf32>
    %and3A_40 = arith.andi %eq3A_37, %lt3A_39 : vector<196x196xi1>
    %or3A_41 = arith.ori %gt3A_35, %and3A_40 : vector<196x196xi1>
    %and3A_42 = arith.andi %ge3A_33, %or3A_41 : vector<196x196xi1>
    %jit3A_43 = arith.constant 1.000000e+00 : f32
    %jit3A_44 = arith.constant 0.000000e+00 : f32
    %broadcast_in_dim3A_45 = vector.broadcast %jit3A_43 : f32 to vector<196x196xf32>
    %broadcast_in_dim3A_46 = vector.broadcast %jit3A_44 : f32 to vector<196x196xf32>
    %select_n3A_47 = arith.select %and3A_42, %broadcast_in_dim3A_45, %broadcast_in_dim3A_46 : vector<196x196xi1>, vector<196x196xf32>
    %dot_general3A_48 = arith.constant dense<0.000000e+00> : vector<1x196xf32>
    %dot_general3A_49 = tpu.matmul %broadcast_in_dim3A_7, %select_n3A_47, %dot_general3A_48 {dimension_numbers = #tpu.dot_dimension_numbers<[1], [0], [0], [1], [0, 0, 1, 1], [], []>, transpose_lhs_hint = false} : vector<1x196xf32>, vector<196x196xf32>, vector<1x196xf32> -> vector<1x196xf32>
    %lt3A_50 = arith.constant 4.700000e+01 : f32
    %lt3A_51 = vector.broadcast %lt3A_50 : f32 to vector<1x196xf32>
    %lt3A_52 = arith.cmpf olt, %dot_general3A_27, %lt3A_51 : vector<1x196xf32>
    %add3A = arith.constant 4.700000e+01 : f32
    %add3A_53 = vector.broadcast %add3A : f32 to vector<1x196xf32>
    %add3A_54 = arith.addf %add3A_53, %dot_general3A_49 : vector<1x196xf32>
    %select_n3A_55 = arith.select %lt3A_52, %dot_general3A_27, %add3A_54 : vector<1x196xi1>, vector<1x196xf32>
    %mul3A_56 = vector.broadcast %select_n3A_55 : vector<1x196xf32> to vector<196x196xf32>
    %mul3A_57 = arith.mulf %mul3A_56, %convert_element_type3A_6 : vector<196x196xf32>
    %dot_general3A_58 = arith.constant dense<0.000000e+00> : vector<196x196xf32>
    %dot_general3A_59 = tpu.matmul %mul3A_57, %broadcast_in_dim3A_9, %dot_general3A_58 {dimension_numbers = #tpu.dot_dimension_numbers<[1], [0], [0], [1], [0, 0, 1, 1], [], []>, transpose_lhs_hint = false} : vector<196x196xf32>, vector<196x196xf32>, vector<196x196xf32> -> vector<196x196xf32>
    %convert_element_type3A_60 = arith.sitofp %iota3A_5 : vector<196x196xi32> to vector<196x196xf32>
    %eq3A_61 = arith.cmpf oeq, %dot_general3A_59, %convert_element_type3A_60 : vector<196x196xf32>
    %convert_element_type3A_62 = arith.extui %eq3A_61 : vector<196x196xi1> to vector<196x196xi32>
    %convert_element_type3A_63 = arith.sitofp %convert_element_type3A_62 : vector<196x196xi32> to vector<196x196xf32>
    %get3A_64 = arith.constant 0 : index
    %get3A_65 = arith.constant 0 : index
    %get3A_66 = vector.load %arg3[%get3A_64, %get3A_65] : memref<196x128xf32, #tpu.memory_space<vmem>>, vector<196x128xf32>
    %dot_general3A_67 = arith.constant dense<0.000000e+00> : vector<196x128xf32>
    %dot_general3A_68 = tpu.matmul %convert_element_type3A_63, %get3A_66, %dot_general3A_67 {dimension_numbers = #tpu.dot_dimension_numbers<[1], [0], [0], [1], [0, 0, 1, 1], [], []>, transpose_lhs_hint = false} : vector<196x196xf32>, vector<196x128xf32>, vector<196x128xf32> -> vector<196x128xf32>
    %convert_element_type3A_69 = arith.truncf %dot_general3A_68 : vector<196x128xf32> to vector<196x128xbf16>
    %get3A_70 = arith.constant 0 : index
    %get3A_71 = arith.constant 0 : index
    %get3A_72 = arith.constant 0 : index
    %get3A_73 = arith.constant 0 : index
    %get3A_74 = vector.load %arg2[%get3A_70, %get3A_71, %get3A_72, %get3A_73] : memref<1x4x196x512xf32, #tpu.memory_space<vmem>>, vector<1x1x196x512xf32>
    %get3A_75 = vector.shape_cast %get3A_74 : vector<1x1x196x512xf32> to vector<196x512xf32>
    %convert_element_type3A_76 = arith.truncf %get3A_75 : vector<196x512xf32> to vector<196x512xbf16>
    %convert_element_type3A_77 = arith.extf %convert_element_type3A_76 : vector<196x512xbf16> to vector<196x512xf32>
    %sub3A = arith.subf %get3A_75, %convert_element_type3A_77 : vector<196x512xf32>
    %convert_element_type3A_78 = arith.truncf %sub3A : vector<196x512xf32> to vector<196x512xbf16>
    %convert_element_type3A_79 = arith.extf %convert_element_type3A_78 : vector<196x512xbf16> to vector<196x512xf32>
    %sub3A_80 = arith.subf %sub3A, %convert_element_type3A_79 : vector<196x512xf32>
    %convert_element_type3A_81 = arith.truncf %sub3A_80 : vector<196x512xf32> to vector<196x512xbf16>
    %dot_general3A_82 = arith.constant dense<0.000000e+00> : vector<512x128xf32>
    %dot_general3A_83 = tpu.matmul %convert_element_type3A_76, %convert_element_type3A_69, %dot_general3A_82 {dimension_numbers = #tpu.dot_dimension_numbers<[0], [0], [1], [1], [0, 1, 1, 1], [], []>, transpose_lhs_hint = false} : vector<196x512xbf16>, vector<196x128xbf16>, vector<512x128xf32> -> vector<512x128xf32>
    %dot_general3A_84 = arith.constant dense<0.000000e+00> : vector<512x128xf32>
    %dot_general3A_85 = tpu.matmul %convert_element_type3A_78, %convert_element_type3A_69, %dot_general3A_84 {dimension_numbers = #tpu.dot_dimension_numbers<[0], [0], [1], [1], [0, 1, 1, 1], [], []>, transpose_lhs_hint = false} : vector<196x512xbf16>, vector<196x128xbf16>, vector<512x128xf32> -> vector<512x128xf32>
    %add3A_86 = arith.addf %dot_general3A_83, %dot_general3A_85 : vector<512x128xf32>
    %dot_general3A_87 = arith.constant dense<0.000000e+00> : vector<512x128xf32>
    %dot_general3A_88 = tpu.matmul %convert_element_type3A_81, %convert_element_type3A_69, %dot_general3A_87 {dimension_numbers = #tpu.dot_dimension_numbers<[0], [0], [1], [1], [0, 1, 1, 1], [], []>, transpose_lhs_hint = false} : vector<196x512xbf16>, vector<196x128xbf16>, vector<512x128xf32> -> vector<512x128xf32>
    %add3A_89 = arith.addf %add3A_86, %dot_general3A_88 : vector<512x128xf32>
    %reshape3A = vector.shape_cast %add3A_89 : vector<512x128xf32> to vector<16x32x128xf32>
    %transpose3A = tpu.transpose %reshape3A, [1, 0, 2] : vector<16x32x128xf32> -> vector<32x16x128xf32>
    %swap3A = arith.constant 0 : index
    %swap3A_90 = arith.constant 0 : index
    %swap3A_91 = arith.constant 0 : index
    %swap3A_92 = arith.constant 0 : index
    %swap3A_93 = arith.constant 0 : index
    %swap3A_94 = vector.load %arg4[%swap3A, %swap3A_90, %swap3A_91, %swap3A_92, %swap3A_93] : memref<1x4x32x16x128xf32, #tpu.memory_space<vmem>>, vector<1x1x32x16x128xf32>
    %swap3A_95 = vector.shape_cast %swap3A_94 : vector<1x1x32x16x128xf32> to vector<32x16x128xf32>
    %swap3A_96 = vector.shape_cast %transpose3A : vector<32x16x128xf32> to vector<1x1x32x16x128xf32>
    tpu.vector_store %arg4[%swap3A, %swap3A_90, %swap3A_91, %swap3A_92, %swap3A_93], %swap3A_96 {strides = array<i32>} : memref<1x4x32x16x128xf32, #tpu.memory_space<vmem>>, vector<1x1x32x16x128xf32>,
    %get3A_97 = arith.constant 0 : index
    %get3A_98 = arith.constant 1 : index
    %get3A_99 = arith.constant 0 : index
    %get3A_100 = arith.constant 0 : index
    %get3A_101 = vector.load %arg1[%get3A_97, %get3A_98, %get3A_99, %get3A_100] : memref<1x4x32x196xf32, #tpu.memory_space<vmem>>, vector<1x1x32x196xf32>
    %get3A_102 = vector.shape_cast %get3A_101 : vector<1x1x32x196xf32> to vector<32x196xf32>
    %iota3A_103 = tpu.iota {dimensions = array<i32: 0>} : vector<196x196xi32>
    %iota3A_104 = tpu.iota {dimensions = array<i32: 1>} : vector<196x196xi32>
    %eq3A_105 = arith.cmpi eq, %iota3A_103, %iota3A_104 : vector<196x196xi32>
    %convert_element_type3A_106 = arith.extui %eq3A_105 : vector<196x196xi1> to vector<196x196xi32>
    %convert_element_type3A_107 = arith.sitofp %convert_element_type3A_106 : vector<196x196xi32> to vector<196x196xf32>
    %broadcast_in_dim3A_108 = arith.constant 1.000000e+00 : f32
    %broadcast_in_dim3A_109 = vector.broadcast %broadcast_in_dim3A_108 : f32 to vector<1x196xf32>
    %broadcast_in_dim3A_110 = arith.constant 1.000000e+00 : f32
    %broadcast_in_dim3A_111 = vector.broadcast %broadcast_in_dim3A_110 : f32 to vector<196x196xf32>
    %reduce_max3A_112 = arith.constant dense<0xFF800000> : vector<196xf32>
    %reduce_max3A_113 = vector.multi_reduction <maximumf>, %get3A_102, %reduce_max3A_112 [0] : vector<32x196xf32> to vector<196xf32>
    %broadcast_in_dim3A_114 = vector.shape_cast %reduce_max3A_113 : vector<196xf32> to vector<1x196xf32>
    %reduce_sum3A_115 = arith.constant dense<0.000000e+00> : vector<196xf32>
    %reduce_sum3A_116 = vector.multi_reduction <add>, %get3A_102, %reduce_sum3A_115 [0] : vector<32x196xf32> to vector<196xf32>
    %broadcast_in_dim3A_117 = vector.shape_cast %reduce_sum3A_116 : vector<196xf32> to vector<1x196xf32>
    %mul3A_118 = vector.broadcast %broadcast_in_dim3A_114 : vector<1x196xf32> to vector<196x196xf32>
    %mul3A_119 = arith.mulf %mul3A_118, %convert_element_type3A_107 : vector<196x196xf32>
    %dot_general3A_120 = arith.constant dense<0.000000e+00> : vector<196x196xf32>
    %dot_general3A_121 = tpu.matmul %mul3A_119, %broadcast_in_dim3A_111, %dot_general3A_120 {dimension_numbers = #tpu.dot_dimension_numbers<[1], [0], [0], [1], [0, 0, 1, 1], [], []>, precision = #tpu.contract_precision<fp32>, transpose_lhs_hint = false} : vector<196x196xf32>, vector<196x196xf32>, vector<196x196xf32> -> vector<196x196xf32>
    %mul3A_122 = vector.broadcast %broadcast_in_dim3A_117 : vector<1x196xf32> to vector<196x196xf32>
    %mul3A_123 = arith.mulf %mul3A_122, %convert_element_type3A_107 : vector<196x196xf32>
    %dot_general3A_124 = arith.constant dense<0.000000e+00> : vector<196x196xf32>
    %dot_general3A_125 = tpu.matmul %mul3A_123, %broadcast_in_dim3A_111, %dot_general3A_124 {dimension_numbers = #tpu.dot_dimension_numbers<[1], [0], [0], [1], [0, 0, 1, 1], [], []>, precision = #tpu.contract_precision<fp32>, transpose_lhs_hint = false} : vector<196x196xf32>, vector<196x196xf32>, vector<196x196xf32> -> vector<196x196xf32>
    %gt3A_126 = vector.broadcast %broadcast_in_dim3A_114 : vector<1x196xf32> to vector<196x196xf32>
    %gt3A_127 = arith.cmpf ogt, %dot_general3A_121, %gt3A_126 : vector<196x196xf32>
    %eq3A_128 = vector.broadcast %broadcast_in_dim3A_114 : vector<1x196xf32> to vector<196x196xf32>
    %eq3A_129 = arith.cmpf oeq, %dot_general3A_121, %eq3A_128 : vector<196x196xf32>
    %lt3A_130 = arith.cmpi slt, %iota3A_103, %iota3A_104 : vector<196x196xi32>
    %and3A_131 = arith.andi %eq3A_129, %lt3A_130 : vector<196x196xi1>
    %or3A_132 = arith.ori %gt3A_127, %and3A_131 : vector<196x196xi1>
    %jit3A_133 = arith.constant 1.000000e+00 : f32
    %jit3A_134 = arith.constant 0.000000e+00 : f32
    %broadcast_in_dim3A_135 = vector.broadcast %jit3A_133 : f32 to vector<196x196xf32>
    %broadcast_in_dim3A_136 = vector.broadcast %jit3A_134 : f32 to vector<196x196xf32>
    %select_n3A_137 = arith.select %or3A_132, %broadcast_in_dim3A_135, %broadcast_in_dim3A_136 : vector<196x196xi1>, vector<196x196xf32>
    %dot_general3A_138 = arith.constant dense<0.000000e+00> : vector<1x196xf32>
    %dot_general3A_139 = tpu.matmul %broadcast_in_dim3A_109, %select_n3A_137, %dot_general3A_138 {dimension_numbers = #tpu.dot_dimension_numbers<[1], [0], [0], [1], [0, 0, 1, 1], [], []>, transpose_lhs_hint = false} : vector<1x196xf32>, vector<196x196xf32>, vector<1x196xf32> -> vector<1x196xf32>
    %mul3A_140 = vector.broadcast %dot_general3A_139 : vector<1x196xf32> to vector<196x196xf32>
    %mul3A_141 = arith.mulf %mul3A_140, %convert_element_type3A_107 : vector<196x196xf32>
    %dot_general3A_142 = arith.constant dense<0.000000e+00> : vector<196x196xf32>
    %dot_general3A_143 = tpu.matmul %mul3A_141, %broadcast_in_dim3A_111, %dot_general3A_142 {dimension_numbers = #tpu.dot_dimension_numbers<[1], [0], [0], [1], [0, 0, 1, 1], [], []>, transpose_lhs_hint = false} : vector<196x196xf32>, vector<196x196xf32>, vector<196x196xf32> -> vector<196x196xf32>
    %ge3A_144 = arith.constant 4.700000e+01 : f32
    %ge3A_145 = vector.broadcast %ge3A_144 : f32 to vector<196x196xf32>
    %ge3A_146 = arith.cmpf oge, %dot_general3A_143, %ge3A_145 : vector<196x196xf32>
    %gt3A_147 = vector.broadcast %broadcast_in_dim3A_117 : vector<1x196xf32> to vector<196x196xf32>
    %gt3A_148 = arith.cmpf ogt, %dot_general3A_125, %gt3A_147 : vector<196x196xf32>
    %eq3A_149 = vector.broadcast %broadcast_in_dim3A_117 : vector<1x196xf32> to vector<196x196xf32>
    %eq3A_150 = arith.cmpf oeq, %dot_general3A_125, %eq3A_149 : vector<196x196xf32>
    %lt3A_151 = vector.broadcast %dot_general3A_139 : vector<1x196xf32> to vector<196x196xf32>
    %lt3A_152 = arith.cmpf olt, %dot_general3A_143, %lt3A_151 : vector<196x196xf32>
    %and3A_153 = arith.andi %eq3A_150, %lt3A_152 : vector<196x196xi1>
    %or3A_154 = arith.ori %gt3A_148, %and3A_153 : vector<196x196xi1>
    %and3A_155 = arith.andi %ge3A_146, %or3A_154 : vector<196x196xi1>
    %jit3A_156 = arith.constant 1.000000e+00 : f32
    %jit3A_157 = arith.constant 0.000000e+00 : f32
    %broadcast_in_dim3A_158 = vector.broadcast %jit3A_156 : f32 to vector<196x196xf32>
    %broadcast_in_dim3A_159 = vector.broadcast %jit3A_157 : f32 to vector<196x196xf32>
    %select_n3A_160 = arith.select %and3A_155, %broadcast_in_dim3A_158, %broadcast_in_dim3A_159 : vector<196x196xi1>, vector<196x196xf32>
    %dot_general3A_161 = arith.constant dense<0.000000e+00> : vector<1x196xf32>
    %dot_general3A_162 = tpu.matmul %broadcast_in_dim3A_109, %select_n3A_160, %dot_general3A_161 {dimension_numbers = #tpu.dot_dimension_numbers<[1], [0], [0], [1], [0, 0, 1, 1], [], []>, transpose_lhs_hint = false} : vector<1x196xf32>, vector<196x196xf32>, vector<1x196xf32> -> vector<1x196xf32>
    %lt3A_163 = arith.constant 4.700000e+01 : f32
    %lt3A_164 = vector.broadcast %lt3A_163 : f32 to vector<1x196xf32>
    %lt3A_165 = arith.cmpf olt, %dot_general3A_139, %lt3A_164 : vector<1x196xf32>
    %add3A_166 = arith.constant 4.700000e+01 : f32
    %add3A_167 = vector.broadcast %add3A_166 : f32 to vector<1x196xf32>
    %add3A_168 = arith.addf %add3A_167, %dot_general3A_162 : vector<1x196xf32>
    %select_n3A_169 = arith.select %lt3A_165, %dot_general3A_139, %add3A_168 : vector<1x196xi1>, vector<1x196xf32>
    %mul3A_170 = vector.broadcast %select_n3A_169 : vector<1x196xf32> to vector<196x196xf32>
    %mul3A_171 = arith.mulf %mul3A_170, %convert_element_type3A_107 : vector<196x196xf32>
    %dot_general3A_172 = arith.constant dense<0.000000e+00> : vector<196x196xf32>
    %dot_general3A_173 = tpu.matmul %mul3A_171, %broadcast_in_dim3A_111, %dot_general3A_172 {dimension_numbers = #tpu.dot_dimension_numbers<[1], [0], [0], [1], [0, 0, 1, 1], [], []>, transpose_lhs_hint = false} : vector<196x196xf32>, vector<196x196xf32>, vector<196x196xf32> -> vector<196x196xf32>
    %convert_element_type3A_174 = arith.sitofp %iota3A_104 : vector<196x196xi32> to vector<196x196xf32>
    %eq3A_175 = arith.cmpf oeq, %dot_general3A_173, %convert_element_type3A_174 : vector<196x196xf32>
    %convert_element_type3A_176 = arith.extui %eq3A_175 : vector<196x196xi1> to vector<196x196xi32>
    %convert_element_type3A_177 = arith.sitofp %convert_element_type3A_176 : vector<196x196xi32> to vector<196x196xf32>
    %get3A_178 = arith.constant 0 : index
    %get3A_179 = arith.constant 0 : index
    %get3A_180 = vector.load %arg3[%get3A_178, %get3A_179] : memref<196x128xf32, #tpu.memory_space<vmem>>, vector<196x128xf32>
    %dot_general3A_181 = arith.constant dense<0.000000e+00> : vector<196x128xf32>
    %dot_general3A_182 = tpu.matmul %convert_element_type3A_177, %get3A_180, %dot_general3A_181 {dimension_numbers = #tpu.dot_dimension_numbers<[1], [0], [0], [1], [0, 0, 1, 1], [], []>, transpose_lhs_hint = false} : vector<196x196xf32>, vector<196x128xf32>, vector<196x128xf32> -> vector<196x128xf32>
    %convert_element_type3A_183 = arith.truncf %dot_general3A_182 : vector<196x128xf32> to vector<196x128xbf16>
    %get3A_184 = arith.constant 0 : index
    %get3A_185 = arith.constant 1 : index
    %get3A_186 = arith.constant 0 : index
    %get3A_187 = arith.constant 0 : index
    %get3A_188 = vector.load %arg2[%get3A_184, %get3A_185, %get3A_186, %get3A_187] : memref<1x4x196x512xf32, #tpu.memory_space<vmem>>, vector<1x1x196x512xf32>
    %get3A_189 = vector.shape_cast %get3A_188 : vector<1x1x196x512xf32> to vector<196x512xf32>
    %convert_element_type3A_190 = arith.truncf %get3A_189 : vector<196x512xf32> to vector<196x512xbf16>
    %convert_element_type3A_191 = arith.extf %convert_element_type3A_190 : vector<196x512xbf16> to vector<196x512xf32>
    %sub3A_192 = arith.subf %get3A_189, %convert_element_type3A_191 : vector<196x512xf32>
    %convert_element_type3A_193 = arith.truncf %sub3A_192 : vector<196x512xf32> to vector<196x512xbf16>
    %convert_element_type3A_194 = arith.extf %convert_element_type3A_193 : vector<196x512xbf16> to vector<196x512xf32>
    %sub3A_195 = arith.subf %sub3A_192, %convert_element_type3A_194 : vector<196x512xf32>
    %convert_element_type3A_196 = arith.truncf %sub3A_195 : vector<196x512xf32> to vector<196x512xbf16>
    %dot_general3A_197 = arith.constant dense<0.000000e+00> : vector<512x128xf32>
    %dot_general3A_198 = tpu.matmul %convert_element_type3A_190, %convert_element_type3A_183, %dot_general3A_197 {dimension_numbers = #tpu.dot_dimension_numbers<[0], [0], [1], [1], [0, 1, 1, 1], [], []>, transpose_lhs_hint = false} : vector<196x512xbf16>, vector<196x128xbf16>, vector<512x128xf32> -> vector<512x128xf32>
    %dot_general3A_199 = arith.constant dense<0.000000e+00> : vector<512x128xf32>
    %dot_general3A_200 = tpu.matmul %convert_element_type3A_193, %convert_element_type3A_183, %dot_general3A_199 {dimension_numbers = #tpu.dot_dimension_numbers<[0], [0], [1], [1], [0, 1, 1, 1], [], []>, transpose_lhs_hint = false} : vector<196x512xbf16>, vector<196x128xbf16>, vector<512x128xf32> -> vector<512x128xf32>
    %add3A_201 = arith.addf %dot_general3A_198, %dot_general3A_200 : vector<512x128xf32>
    %dot_general3A_202 = arith.constant dense<0.000000e+00> : vector<512x128xf32>
    %dot_general3A_203 = tpu.matmul %convert_element_type3A_196, %convert_element_type3A_183, %dot_general3A_202 {dimension_numbers = #tpu.dot_dimension_numbers<[0], [0], [1], [1], [0, 1, 1, 1], [], []>, transpose_lhs_hint = false} : vector<196x512xbf16>, vector<196x128xbf16>, vector<512x128xf32> -> vector<512x128xf32>
    %add3A_204 = arith.addf %add3A_201, %dot_general3A_203 : vector<512x128xf32>
    %reshape3A_205 = vector.shape_cast %add3A_204 : vector<512x128xf32> to vector<16x32x128xf32>
    %transpose3A_206 = tpu.transpose %reshape3A_205, [1, 0, 2] : vector<16x32x128xf32> -> vector<32x16x128xf32>
    %swap3A_207 = arith.constant 0 : index
    %swap3A_208 = arith.constant 1 : index
    %swap3A_209 = arith.constant 0 : index
    %swap3A_210 = arith.constant 0 : index
    %swap3A_211 = arith.constant 0 : index
    %swap3A_212 = vector.load %arg4[%swap3A_207, %swap3A_208, %swap3A_209, %swap3A_210, %swap3A_211] : memref<1x4x32x16x128xf32, #tpu.memory_space<vmem>>, vector<1x1x32x16x128xf32>
    %swap3A_213 = vector.shape_cast %swap3A_212 : vector<1x1x32x16x128xf32> to vector<32x16x128xf32>
    %swap3A_214 = vector.shape_cast %transpose3A_206 : vector<32x16x128xf32> to vector<1x1x32x16x128xf32>
    tpu.vector_store %arg4[%swap3A_207, %swap3A_208, %swap3A_209, %swap3A_210, %swap3A_211], %swap3A_214 {strides = array<i32>} : memref<1x4x32x16x128xf32, #tpu.memory_space<vmem>>, vector<1x1x32x16x128xf32>,
    %get3A_215 = arith.constant 0 : index
    %get3A_216 = arith.constant 2 : index
    %get3A_217 = arith.constant 0 : index
    %get3A_218 = arith.constant 0 : index
    %get3A_219 = vector.load %arg1[%get3A_215, %get3A_216, %get3A_217, %get3A_218] : memref<1x4x32x196xf32, #tpu.memory_space<vmem>>, vector<1x1x32x196xf32>
    %get3A_220 = vector.shape_cast %get3A_219 : vector<1x1x32x196xf32> to vector<32x196xf32>
    %iota3A_221 = tpu.iota {dimensions = array<i32: 0>} : vector<196x196xi32>
    %iota3A_222 = tpu.iota {dimensions = array<i32: 1>} : vector<196x196xi32>
    %eq3A_223 = arith.cmpi eq, %iota3A_221, %iota3A_222 : vector<196x196xi32>
    %convert_element_type3A_224 = arith.extui %eq3A_223 : vector<196x196xi1> to vector<196x196xi32>
    %convert_element_type3A_225 = arith.sitofp %convert_element_type3A_224 : vector<196x196xi32> to vector<196x196xf32>
    %broadcast_in_dim3A_226 = arith.constant 1.000000e+00 : f32
    %broadcast_in_dim3A_227 = vector.broadcast %broadcast_in_dim3A_226 : f32 to vector<1x196xf32>
    %broadcast_in_dim3A_228 = arith.constant 1.000000e+00 : f32
    %broadcast_in_dim3A_229 = vector.broadcast %broadcast_in_dim3A_228 : f32 to vector<196x196xf32>
    %reduce_max3A_230 = arith.constant dense<0xFF800000> : vector<196xf32>
    %reduce_max3A_231 = vector.multi_reduction <maximumf>, %get3A_220, %reduce_max3A_230 [0] : vector<32x196xf32> to vector<196xf32>
    %broadcast_in_dim3A_232 = vector.shape_cast %reduce_max3A_231 : vector<196xf32> to vector<1x196xf32>
    %reduce_sum3A_233 = arith.constant dense<0.000000e+00> : vector<196xf32>
    %reduce_sum3A_234 = vector.multi_reduction <add>, %get3A_220, %reduce_sum3A_233 [0] : vector<32x196xf32> to vector<196xf32>
    %broadcast_in_dim3A_235 = vector.shape_cast %reduce_sum3A_234 : vector<196xf32> to vector<1x196xf32>
    %mul3A_236 = vector.broadcast %broadcast_in_dim3A_232 : vector<1x196xf32> to vector<196x196xf32>
    %mul3A_237 = arith.mulf %mul3A_236, %convert_element_type3A_225 : vector<196x196xf32>
    %dot_general3A_238 = arith.constant dense<0.000000e+00> : vector<196x196xf32>
    %dot_general3A_239 = tpu.matmul %mul3A_237, %broadcast_in_dim3A_229, %dot_general3A_238 {dimension_numbers = #tpu.dot_dimension_numbers<[1], [0], [0], [1], [0, 0, 1, 1], [], []>, precision = #tpu.contract_precision<fp32>, transpose_lhs_hint = false} : vector<196x196xf32>, vector<196x196xf32>, vector<196x196xf32> -> vector<196x196xf32>
    %mul3A_240 = vector.broadcast %broadcast_in_dim3A_235 : vector<1x196xf32> to vector<196x196xf32>
    %mul3A_241 = arith.mulf %mul3A_240, %convert_element_type3A_225 : vector<196x196xf32>
    %dot_general3A_242 = arith.constant dense<0.000000e+00> : vector<196x196xf32>
    %dot_general3A_243 = tpu.matmul %mul3A_241, %broadcast_in_dim3A_229, %dot_general3A_242 {dimension_numbers = #tpu.dot_dimension_numbers<[1], [0], [0], [1], [0, 0, 1, 1], [], []>, precision = #tpu.contract_precision<fp32>, transpose_lhs_hint = false} : vector<196x196xf32>, vector<196x196xf32>, vector<196x196xf32> -> vector<196x196xf32>
    %gt3A_244 = vector.broadcast %broadcast_in_dim3A_232 : vector<1x196xf32> to vector<196x196xf32>
    %gt3A_245 = arith.cmpf ogt, %dot_general3A_239, %gt3A_244 : vector<196x196xf32>
    %eq3A_246 = vector.broadcast %broadcast_in_dim3A_232 : vector<1x196xf32> to vector<196x196xf32>
    %eq3A_247 = arith.cmpf oeq, %dot_general3A_239, %eq3A_246 : vector<196x196xf32>
    %lt3A_248 = arith.cmpi slt, %iota3A_221, %iota3A_222 : vector<196x196xi32>
    %and3A_249 = arith.andi %eq3A_247, %lt3A_248 : vector<196x196xi1>
    %or3A_250 = arith.ori %gt3A_245, %and3A_249 : vector<196x196xi1>
    %jit3A_251 = arith.constant 1.000000e+00 : f32
    %jit3A_252 = arith.constant 0.000000e+00 : f32
    %broadcast_in_dim3A_253 = vector.broadcast %jit3A_251 : f32 to vector<196x196xf32>
    %broadcast_in_dim3A_254 = vector.broadcast %jit3A_252 : f32 to vector<196x196xf32>
    %select_n3A_255 = arith.select %or3A_250, %broadcast_in_dim3A_253, %broadcast_in_dim3A_254 : vector<196x196xi1>, vector<196x196xf32>
    %dot_general3A_256 = arith.constant dense<0.000000e+00> : vector<1x196xf32>
    %dot_general3A_257 = tpu.matmul %broadcast_in_dim3A_227, %select_n3A_255, %dot_general3A_256 {dimension_numbers = #tpu.dot_dimension_numbers<[1], [0], [0], [1], [0, 0, 1, 1], [], []>, transpose_lhs_hint = false} : vector<1x196xf32>, vector<196x196xf32>, vector<1x196xf32> -> vector<1x196xf32>
    %mul3A_258 = vector.broadcast %dot_general3A_257 : vector<1x196xf32> to vector<196x196xf32>
    %mul3A_259 = arith.mulf %mul3A_258, %convert_element_type3A_225 : vector<196x196xf32>
    %dot_general3A_260 = arith.constant dense<0.000000e+00> : vector<196x196xf32>
    %dot_general3A_261 = tpu.matmul %mul3A_259, %broadcast_in_dim3A_229, %dot_general3A_260 {dimension_numbers = #tpu.dot_dimension_numbers<[1], [0], [0], [1], [0, 0, 1, 1], [], []>, transpose_lhs_hint = false} : vector<196x196xf32>, vector<196x196xf32>, vector<196x196xf32> -> vector<196x196xf32>
    %ge3A_262 = arith.constant 4.700000e+01 : f32
    %ge3A_263 = vector.broadcast %ge3A_262 : f32 to vector<196x196xf32>
    %ge3A_264 = arith.cmpf oge, %dot_general3A_261, %ge3A_263 : vector<196x196xf32>
    %gt3A_265 = vector.broadcast %broadcast_in_dim3A_235 : vector<1x196xf32> to vector<196x196xf32>
    %gt3A_266 = arith.cmpf ogt, %dot_general3A_243, %gt3A_265 : vector<196x196xf32>
    %eq3A_267 = vector.broadcast %broadcast_in_dim3A_235 : vector<1x196xf32> to vector<196x196xf32>
    %eq3A_268 = arith.cmpf oeq, %dot_general3A_243, %eq3A_267 : vector<196x196xf32>
    %lt3A_269 = vector.broadcast %dot_general3A_257 : vector<1x196xf32> to vector<196x196xf32>
    %lt3A_270 = arith.cmpf olt, %dot_general3A_261, %lt3A_269 : vector<196x196xf32>
    %and3A_271 = arith.andi %eq3A_268, %lt3A_270 : vector<196x196xi1>
    %or3A_272 = arith.ori %gt3A_266, %and3A_271 : vector<196x196xi1>
    %and3A_273 = arith.andi %ge3A_264, %or3A_272 : vector<196x196xi1>
    %jit3A_274 = arith.constant 1.000000e+00 : f32
    %jit3A_275 = arith.constant 0.000000e+00 : f32
    %broadcast_in_dim3A_276 = vector.broadcast %jit3A_274 : f32 to vector<196x196xf32>
    %broadcast_in_dim3A_277 = vector.broadcast %jit3A_275 : f32 to vector<196x196xf32>
    %select_n3A_278 = arith.select %and3A_273, %broadcast_in_dim3A_276, %broadcast_in_dim3A_277 : vector<196x196xi1>, vector<196x196xf32>
    %dot_general3A_279 = arith.constant dense<0.000000e+00> : vector<1x196xf32>
    %dot_general3A_280 = tpu.matmul %broadcast_in_dim3A_227, %select_n3A_278, %dot_general3A_279 {dimension_numbers = #tpu.dot_dimension_numbers<[1], [0], [0], [1], [0, 0, 1, 1], [], []>, transpose_lhs_hint = false} : vector<1x196xf32>, vector<196x196xf32>, vector<1x196xf32> -> vector<1x196xf32>
    %lt3A_281 = arith.constant 4.700000e+01 : f32
    %lt3A_282 = vector.broadcast %lt3A_281 : f32 to vector<1x196xf32>
    %lt3A_283 = arith.cmpf olt, %dot_general3A_257, %lt3A_282 : vector<1x196xf32>
    %add3A_284 = arith.constant 4.700000e+01 : f32
    %add3A_285 = vector.broadcast %add3A_284 : f32 to vector<1x196xf32>
    %add3A_286 = arith.addf %add3A_285, %dot_general3A_280 : vector<1x196xf32>
    %select_n3A_287 = arith.select %lt3A_283, %dot_general3A_257, %add3A_286 : vector<1x196xi1>, vector<1x196xf32>
    %mul3A_288 = vector.broadcast %select_n3A_287 : vector<1x196xf32> to vector<196x196xf32>
    %mul3A_289 = arith.mulf %mul3A_288, %convert_element_type3A_225 : vector<196x196xf32>
    %dot_general3A_290 = arith.constant dense<0.000000e+00> : vector<196x196xf32>
    %dot_general3A_291 = tpu.matmul %mul3A_289, %broadcast_in_dim3A_229, %dot_general3A_290 {dimension_numbers = #tpu.dot_dimension_numbers<[1], [0], [0], [1], [0, 0, 1, 1], [], []>, transpose_lhs_hint = false} : vector<196x196xf32>, vector<196x196xf32>, vector<196x196xf32> -> vector<196x196xf32>
    %convert_element_type3A_292 = arith.sitofp %iota3A_222 : vector<196x196xi32> to vector<196x196xf32>
    %eq3A_293 = arith.cmpf oeq, %dot_general3A_291, %convert_element_type3A_292 : vector<196x196xf32>
    %convert_element_type3A_294 = arith.extui %eq3A_293 : vector<196x196xi1> to vector<196x196xi32>
    %convert_element_type3A_295 = arith.sitofp %convert_element_type3A_294 : vector<196x196xi32> to vector<196x196xf32>
    %get3A_296 = arith.constant 0 : index
    %get3A_297 = arith.constant 0 : index
    %get3A_298 = vector.load %arg3[%get3A_296, %get3A_297] : memref<196x128xf32, #tpu.memory_space<vmem>>, vector<196x128xf32>
    %dot_general3A_299 = arith.constant dense<0.000000e+00> : vector<196x128xf32>
    %dot_general3A_300 = tpu.matmul %convert_element_type3A_295, %get3A_298, %dot_general3A_299 {dimension_numbers = #tpu.dot_dimension_numbers<[1], [0], [0], [1], [0, 0, 1, 1], [], []>, transpose_lhs_hint = false} : vector<196x196xf32>, vector<196x128xf32>, vector<196x128xf32> -> vector<196x128xf32>
    %convert_element_type3A_301 = arith.truncf %dot_general3A_300 : vector<196x128xf32> to vector<196x128xbf16>
    %get3A_302 = arith.constant 0 : index
    %get3A_303 = arith.constant 2 : index
    %get3A_304 = arith.constant 0 : index
    %get3A_305 = arith.constant 0 : index
    %get3A_306 = vector.load %arg2[%get3A_302, %get3A_303, %get3A_304, %get3A_305] : memref<1x4x196x512xf32, #tpu.memory_space<vmem>>, vector<1x1x196x512xf32>
    %get3A_307 = vector.shape_cast %get3A_306 : vector<1x1x196x512xf32> to vector<196x512xf32>
    %convert_element_type3A_308 = arith.truncf %get3A_307 : vector<196x512xf32> to vector<196x512xbf16>
    %convert_element_type3A_309 = arith.extf %convert_element_type3A_308 : vector<196x512xbf16> to vector<196x512xf32>
    %sub3A_310 = arith.subf %get3A_307, %convert_element_type3A_309 : vector<196x512xf32>
    %convert_element_type3A_311 = arith.truncf %sub3A_310 : vector<196x512xf32> to vector<196x512xbf16>
    %convert_element_type3A_312 = arith.extf %convert_element_type3A_311 : vector<196x512xbf16> to vector<196x512xf32>
    %sub3A_313 = arith.subf %sub3A_310, %convert_element_type3A_312 : vector<196x512xf32>
    %convert_element_type3A_314 = arith.truncf %sub3A_313 : vector<196x512xf32> to vector<196x512xbf16>
    %dot_general3A_315 = arith.constant dense<0.000000e+00> : vector<512x128xf32>
    %dot_general3A_316 = tpu.matmul %convert_element_type3A_308, %convert_element_type3A_301, %dot_general3A_315 {dimension_numbers = #tpu.dot_dimension_numbers<[0], [0], [1], [1], [0, 1, 1, 1], [], []>, transpose_lhs_hint = false} : vector<196x512xbf16>, vector<196x128xbf16>, vector<512x128xf32> -> vector<512x128xf32>
    %dot_general3A_317 = arith.constant dense<0.000000e+00> : vector<512x128xf32>
    %dot_general3A_318 = tpu.matmul %convert_element_type3A_311, %convert_element_type3A_301, %dot_general3A_317 {dimension_numbers = #tpu.dot_dimension_numbers<[0], [0], [1], [1], [0, 1, 1, 1], [], []>, transpose_lhs_hint = false} : vector<196x512xbf16>, vector<196x128xbf16>, vector<512x128xf32> -> vector<512x128xf32>
    %add3A_319 = arith.addf %dot_general3A_316, %dot_general3A_318 : vector<512x128xf32>
    %dot_general3A_320 = arith.constant dense<0.000000e+00> : vector<512x128xf32>
    %dot_general3A_321 = tpu.matmul %convert_element_type3A_314, %convert_element_type3A_301, %dot_general3A_320 {dimension_numbers = #tpu.dot_dimension_numbers<[0], [0], [1], [1], [0, 1, 1, 1], [], []>, transpose_lhs_hint = false} : vector<196x512xbf16>, vector<196x128xbf16>, vector<512x128xf32> -> vector<512x128xf32>
    %add3A_322 = arith.addf %add3A_319, %dot_general3A_321 : vector<512x128xf32>
    %reshape3A_323 = vector.shape_cast %add3A_322 : vector<512x128xf32> to vector<16x32x128xf32>
    %transpose3A_324 = tpu.transpose %reshape3A_323, [1, 0, 2] : vector<16x32x128xf32> -> vector<32x16x128xf32>
    %swap3A_325 = arith.constant 0 : index
    %swap3A_326 = arith.constant 2 : index
    %swap3A_327 = arith.constant 0 : index
    %swap3A_328 = arith.constant 0 : index
    %swap3A_329 = arith.constant 0 : index
    %swap3A_330 = vector.load %arg4[%swap3A_325, %swap3A_326, %swap3A_327, %swap3A_328, %swap3A_329] : memref<1x4x32x16x128xf32, #tpu.memory_space<vmem>>, vector<1x1x32x16x128xf32>
    %swap3A_331 = vector.shape_cast %swap3A_330 : vector<1x1x32x16x128xf32> to vector<32x16x128xf32>
    %swap3A_332 = vector.shape_cast %transpose3A_324 : vector<32x16x128xf32> to vector<1x1x32x16x128xf32>
    tpu.vector_store %arg4[%swap3A_325, %swap3A_326, %swap3A_327, %swap3A_328, %swap3A_329], %swap3A_332 {strides = array<i32>} : memref<1x4x32x16x128xf32, #tpu.memory_space<vmem>>, vector<1x1x32x16x128xf32>,
    %get3A_333 = arith.constant 0 : index
    %get3A_334 = arith.constant 3 : index
    %get3A_335 = arith.constant 0 : index
    %get3A_336 = arith.constant 0 : index
    %get3A_337 = vector.load %arg1[%get3A_333, %get3A_334, %get3A_335, %get3A_336] : memref<1x4x32x196xf32, #tpu.memory_space<vmem>>, vector<1x1x32x196xf32>
    %get3A_338 = vector.shape_cast %get3A_337 : vector<1x1x32x196xf32> to vector<32x196xf32>
    %iota3A_339 = tpu.iota {dimensions = array<i32: 0>} : vector<196x196xi32>
    %iota3A_340 = tpu.iota {dimensions = array<i32: 1>} : vector<196x196xi32>
    %eq3A_341 = arith.cmpi eq, %iota3A_339, %iota3A_340 : vector<196x196xi32>
    %convert_element_type3A_342 = arith.extui %eq3A_341 : vector<196x196xi1> to vector<196x196xi32>
    %convert_element_type3A_343 = arith.sitofp %convert_element_type3A_342 : vector<196x196xi32> to vector<196x196xf32>
    %broadcast_in_dim3A_344 = arith.constant 1.000000e+00 : f32
    %broadcast_in_dim3A_345 = vector.broadcast %broadcast_in_dim3A_344 : f32 to vector<1x196xf32>
    %broadcast_in_dim3A_346 = arith.constant 1.000000e+00 : f32
    %broadcast_in_dim3A_347 = vector.broadcast %broadcast_in_dim3A_346 : f32 to vector<196x196xf32>
    %reduce_max3A_348 = arith.constant dense<0xFF800000> : vector<196xf32>
    %reduce_max3A_349 = vector.multi_reduction <maximumf>, %get3A_338, %reduce_max3A_348 [0] : vector<32x196xf32> to vector<196xf32>
    %broadcast_in_dim3A_350 = vector.shape_cast %reduce_max3A_349 : vector<196xf32> to vector<1x196xf32>
    %reduce_sum3A_351 = arith.constant dense<0.000000e+00> : vector<196xf32>
    %reduce_sum3A_352 = vector.multi_reduction <add>, %get3A_338, %reduce_sum3A_351 [0] : vector<32x196xf32> to vector<196xf32>
    %broadcast_in_dim3A_353 = vector.shape_cast %reduce_sum3A_352 : vector<196xf32> to vector<1x196xf32>
    %mul3A_354 = vector.broadcast %broadcast_in_dim3A_350 : vector<1x196xf32> to vector<196x196xf32>
    %mul3A_355 = arith.mulf %mul3A_354, %convert_element_type3A_343 : vector<196x196xf32>
    %dot_general3A_356 = arith.constant dense<0.000000e+00> : vector<196x196xf32>
    %dot_general3A_357 = tpu.matmul %mul3A_355, %broadcast_in_dim3A_347, %dot_general3A_356 {dimension_numbers = #tpu.dot_dimension_numbers<[1], [0], [0], [1], [0, 0, 1, 1], [], []>, precision = #tpu.contract_precision<fp32>, transpose_lhs_hint = false} : vector<196x196xf32>, vector<196x196xf32>, vector<196x196xf32> -> vector<196x196xf32>
    %mul3A_358 = vector.broadcast %broadcast_in_dim3A_353 : vector<1x196xf32> to vector<196x196xf32>
    %mul3A_359 = arith.mulf %mul3A_358, %convert_element_type3A_343 : vector<196x196xf32>
    %dot_general3A_360 = arith.constant dense<0.000000e+00> : vector<196x196xf32>
    %dot_general3A_361 = tpu.matmul %mul3A_359, %broadcast_in_dim3A_347, %dot_general3A_360 {dimension_numbers = #tpu.dot_dimension_numbers<[1], [0], [0], [1], [0, 0, 1, 1], [], []>, precision = #tpu.contract_precision<fp32>, transpose_lhs_hint = false} : vector<196x196xf32>, vector<196x196xf32>, vector<196x196xf32> -> vector<196x196xf32>
    %gt3A_362 = vector.broadcast %broadcast_in_dim3A_350 : vector<1x196xf32> to vector<196x196xf32>
    %gt3A_363 = arith.cmpf ogt, %dot_general3A_357, %gt3A_362 : vector<196x196xf32>
    %eq3A_364 = vector.broadcast %broadcast_in_dim3A_350 : vector<1x196xf32> to vector<196x196xf32>
    %eq3A_365 = arith.cmpf oeq, %dot_general3A_357, %eq3A_364 : vector<196x196xf32>
    %lt3A_366 = arith.cmpi slt, %iota3A_339, %iota3A_340 : vector<196x196xi32>
    %and3A_367 = arith.andi %eq3A_365, %lt3A_366 : vector<196x196xi1>
    %or3A_368 = arith.ori %gt3A_363, %and3A_367 : vector<196x196xi1>
    %jit3A_369 = arith.constant 1.000000e+00 : f32
    %jit3A_370 = arith.constant 0.000000e+00 : f32
    %broadcast_in_dim3A_371 = vector.broadcast %jit3A_369 : f32 to vector<196x196xf32>
    %broadcast_in_dim3A_372 = vector.broadcast %jit3A_370 : f32 to vector<196x196xf32>
    %select_n3A_373 = arith.select %or3A_368, %broadcast_in_dim3A_371, %broadcast_in_dim3A_372 : vector<196x196xi1>, vector<196x196xf32>
    %dot_general3A_374 = arith.constant dense<0.000000e+00> : vector<1x196xf32>
    %dot_general3A_375 = tpu.matmul %broadcast_in_dim3A_345, %select_n3A_373, %dot_general3A_374 {dimension_numbers = #tpu.dot_dimension_numbers<[1], [0], [0], [1], [0, 0, 1, 1], [], []>, transpose_lhs_hint = false} : vector<1x196xf32>, vector<196x196xf32>, vector<1x196xf32> -> vector<1x196xf32>
    %mul3A_376 = vector.broadcast %dot_general3A_375 : vector<1x196xf32> to vector<196x196xf32>
    %mul3A_377 = arith.mulf %mul3A_376, %convert_element_type3A_343 : vector<196x196xf32>
    %dot_general3A_378 = arith.constant dense<0.000000e+00> : vector<196x196xf32>
    %dot_general3A_379 = tpu.matmul %mul3A_377, %broadcast_in_dim3A_347, %dot_general3A_378 {dimension_numbers = #tpu.dot_dimension_numbers<[1], [0], [0], [1], [0, 0, 1, 1], [], []>, transpose_lhs_hint = false} : vector<196x196xf32>, vector<196x196xf32>, vector<196x196xf32> -> vector<196x196xf32>
    %ge3A_380 = arith.constant 4.700000e+01 : f32
    %ge3A_381 = vector.broadcast %ge3A_380 : f32 to vector<196x196xf32>
    %ge3A_382 = arith.cmpf oge, %dot_general3A_379, %ge3A_381 : vector<196x196xf32>
    %gt3A_383 = vector.broadcast %broadcast_in_dim3A_353 : vector<1x196xf32> to vector<196x196xf32>
    %gt3A_384 = arith.cmpf ogt, %dot_general3A_361, %gt3A_383 : vector<196x196xf32>
    %eq3A_385 = vector.broadcast %broadcast_in_dim3A_353 : vector<1x196xf32> to vector<196x196xf32>
    %eq3A_386 = arith.cmpf oeq, %dot_general3A_361, %eq3A_385 : vector<196x196xf32>
    %lt3A_387 = vector.broadcast %dot_general3A_375 : vector<1x196xf32> to vector<196x196xf32>
    %lt3A_388 = arith.cmpf olt, %dot_general3A_379, %lt3A_387 : vector<196x196xf32>
    %and3A_389 = arith.andi %eq3A_386, %lt3A_388 : vector<196x196xi1>
    %or3A_390 = arith.ori %gt3A_384, %and3A_389 : vector<196x196xi1>
    %and3A_391 = arith.andi %ge3A_382, %or3A_390 : vector<196x196xi1>
    %jit3A_392 = arith.constant 1.000000e+00 : f32
    %jit3A_393 = arith.constant 0.000000e+00 : f32
    %broadcast_in_dim3A_394 = vector.broadcast %jit3A_392 : f32 to vector<196x196xf32>
    %broadcast_in_dim3A_395 = vector.broadcast %jit3A_393 : f32 to vector<196x196xf32>
    %select_n3A_396 = arith.select %and3A_391, %broadcast_in_dim3A_394, %broadcast_in_dim3A_395 : vector<196x196xi1>, vector<196x196xf32>
    %dot_general3A_397 = arith.constant dense<0.000000e+00> : vector<1x196xf32>
    %dot_general3A_398 = tpu.matmul %broadcast_in_dim3A_345, %select_n3A_396, %dot_general3A_397 {dimension_numbers = #tpu.dot_dimension_numbers<[1], [0], [0], [1], [0, 0, 1, 1], [], []>, transpose_lhs_hint = false} : vector<1x196xf32>, vector<196x196xf32>, vector<1x196xf32> -> vector<1x196xf32>
    %lt3A_399 = arith.constant 4.700000e+01 : f32
    %lt3A_400 = vector.broadcast %lt3A_399 : f32 to vector<1x196xf32>
    %lt3A_401 = arith.cmpf olt, %dot_general3A_375, %lt3A_400 : vector<1x196xf32>
    %add3A_402 = arith.constant 4.700000e+01 : f32
    %add3A_403 = vector.broadcast %add3A_402 : f32 to vector<1x196xf32>
    %add3A_404 = arith.addf %add3A_403, %dot_general3A_398 : vector<1x196xf32>
    %select_n3A_405 = arith.select %lt3A_401, %dot_general3A_375, %add3A_404 : vector<1x196xi1>, vector<1x196xf32>
    %mul3A_406 = vector.broadcast %select_n3A_405 : vector<1x196xf32> to vector<196x196xf32>
    %mul3A_407 = arith.mulf %mul3A_406, %convert_element_type3A_343 : vector<196x196xf32>
    %dot_general3A_408 = arith.constant dense<0.000000e+00> : vector<196x196xf32>
    %dot_general3A_409 = tpu.matmul %mul3A_407, %broadcast_in_dim3A_347, %dot_general3A_408 {dimension_numbers = #tpu.dot_dimension_numbers<[1], [0], [0], [1], [0, 0, 1, 1], [], []>, transpose_lhs_hint = false} : vector<196x196xf32>, vector<196x196xf32>, vector<196x196xf32> -> vector<196x196xf32>
    %convert_element_type3A_410 = arith.sitofp %iota3A_340 : vector<196x196xi32> to vector<196x196xf32>
    %eq3A_411 = arith.cmpf oeq, %dot_general3A_409, %convert_element_type3A_410 : vector<196x196xf32>
    %convert_element_type3A_412 = arith.extui %eq3A_411 : vector<196x196xi1> to vector<196x196xi32>
    %convert_element_type3A_413 = arith.sitofp %convert_element_type3A_412 : vector<196x196xi32> to vector<196x196xf32>
    %get3A_414 = arith.constant 0 : index
    %get3A_415 = arith.constant 0 : index
    %get3A_416 = vector.load %arg3[%get3A_414, %get3A_415] : memref<196x128xf32, #tpu.memory_space<vmem>>, vector<196x128xf32>
    %dot_general3A_417 = arith.constant dense<0.000000e+00> : vector<196x128xf32>
    %dot_general3A_418 = tpu.matmul %convert_element_type3A_413, %get3A_416, %dot_general3A_417 {dimension_numbers = #tpu.dot_dimension_numbers<[1], [0], [0], [1], [0, 0, 1, 1], [], []>, transpose_lhs_hint = false} : vector<196x196xf32>, vector<196x128xf32>, vector<196x128xf32> -> vector<196x128xf32>
    %convert_element_type3A_419 = arith.truncf %dot_general3A_418 : vector<196x128xf32> to vector<196x128xbf16>
    %get3A_420 = arith.constant 0 : index
    %get3A_421 = arith.constant 3 : index
    %get3A_422 = arith.constant 0 : index
    %get3A_423 = arith.constant 0 : index
    %get3A_424 = vector.load %arg2[%get3A_420, %get3A_421, %get3A_422, %get3A_423] : memref<1x4x196x512xf32, #tpu.memory_space<vmem>>, vector<1x1x196x512xf32>
    %get3A_425 = vector.shape_cast %get3A_424 : vector<1x1x196x512xf32> to vector<196x512xf32>
    %convert_element_type3A_426 = arith.truncf %get3A_425 : vector<196x512xf32> to vector<196x512xbf16>
    %convert_element_type3A_427 = arith.extf %convert_element_type3A_426 : vector<196x512xbf16> to vector<196x512xf32>
    %sub3A_428 = arith.subf %get3A_425, %convert_element_type3A_427 : vector<196x512xf32>
    %convert_element_type3A_429 = arith.truncf %sub3A_428 : vector<196x512xf32> to vector<196x512xbf16>
    %convert_element_type3A_430 = arith.extf %convert_element_type3A_429 : vector<196x512xbf16> to vector<196x512xf32>
    %sub3A_431 = arith.subf %sub3A_428, %convert_element_type3A_430 : vector<196x512xf32>
    %convert_element_type3A_432 = arith.truncf %sub3A_431 : vector<196x512xf32> to vector<196x512xbf16>
    %dot_general3A_433 = arith.constant dense<0.000000e+00> : vector<512x128xf32>
    %dot_general3A_434 = tpu.matmul %convert_element_type3A_426, %convert_element_type3A_419, %dot_general3A_433 {dimension_numbers = #tpu.dot_dimension_numbers<[0], [0], [1], [1], [0, 1, 1, 1], [], []>, transpose_lhs_hint = false} : vector<196x512xbf16>, vector<196x128xbf16>, vector<512x128xf32> -> vector<512x128xf32>
    %dot_general3A_435 = arith.constant dense<0.000000e+00> : vector<512x128xf32>
    %dot_general3A_436 = tpu.matmul %convert_element_type3A_429, %convert_element_type3A_419, %dot_general3A_435 {dimension_numbers = #tpu.dot_dimension_numbers<[0], [0], [1], [1], [0, 1, 1, 1], [], []>, transpose_lhs_hint = false} : vector<196x512xbf16>, vector<196x128xbf16>, vector<512x128xf32> -> vector<512x128xf32>
    %add3A_437 = arith.addf %dot_general3A_434, %dot_general3A_436 : vector<512x128xf32>
    %dot_general3A_438 = arith.constant dense<0.000000e+00> : vector<512x128xf32>
    %dot_general3A_439 = tpu.matmul %convert_element_type3A_432, %convert_element_type3A_419, %dot_general3A_438 {dimension_numbers = #tpu.dot_dimension_numbers<[0], [0], [1], [1], [0, 1, 1, 1], [], []>, transpose_lhs_hint = false} : vector<196x512xbf16>, vector<196x128xbf16>, vector<512x128xf32> -> vector<512x128xf32>
    %add3A_440 = arith.addf %add3A_437, %dot_general3A_439 : vector<512x128xf32>
    %reshape3A_441 = vector.shape_cast %add3A_440 : vector<512x128xf32> to vector<16x32x128xf32>
    %transpose3A_442 = tpu.transpose %reshape3A_441, [1, 0, 2] : vector<16x32x128xf32> -> vector<32x16x128xf32>
    %swap3A_443 = arith.constant 0 : index
    %swap3A_444 = arith.constant 3 : index
    %swap3A_445 = arith.constant 0 : index
    %swap3A_446 = arith.constant 0 : index
    %swap3A_447 = arith.constant 0 : index
    %swap3A_448 = vector.load %arg4[%swap3A_443, %swap3A_444, %swap3A_445, %swap3A_446, %swap3A_447] : memref<1x4x32x16x128xf32, #tpu.memory_space<vmem>>, vector<1x1x32x16x128xf32>
    %swap3A_449 = vector.shape_cast %swap3A_448 : vector<1x1x32x16x128xf32> to vector<32x16x128xf32>
    %swap3A_450 = vector.shape_cast %transpose3A_442 : vector<32x16x128xf32> to vector<1x1x32x16x128xf32>
    tpu.vector_store %arg4[%swap3A_443, %swap3A_444, %swap3A_445, %swap3A_446, %swap3A_447], %swap3A_450 {strides = array<i32>} : memref<1x4x32x16x128xf32, #tpu.memory_space<vmem>>, vector<1x1x32x16x128xf32>,
    return
  }
  func.func @transform_0(%arg0: i32) -> (i32, i32, i32, i32) {
    %c0_i32 = arith.constant 0 : i32
    %c0_i32_0 = arith.constant 0 : i32
    %c0_i32_1 = arith.constant 0 : i32
    %c0_i32_2 = arith.constant 0 : i32
    return %arg0, %c0_i32, %c0_i32_0, %c0_i32_1 : i32, i32, i32, i32
  }
  func.func @transform_1(%arg0: i32) -> (i32, i32, i32, i32) {
    %c0_i32 = arith.constant 0 : i32
    %c0_i32_0 = arith.constant 0 : i32
    %c0_i32_1 = arith.constant 0 : i32
    %c0_i32_2 = arith.constant 0 : i32
    return %arg0, %c0_i32, %c0_i32_0, %c0_i32_1 : i32, i32, i32, i32
  }
  func.func @transform_2(%arg0: i32) -> (i32, i32) {
    %c0_i32 = arith.constant 0 : i32
    %c0_i32_0 = arith.constant 0 : i32
    %c0_i32_1 = arith.constant 0 : i32
    return %c0_i32, %c0_i32_0 : i32, i32
  }
  func.func @transform_3(%arg0: i32) -> (i32, i32, i32, i32, i32) {
    %c0_i32 = arith.constant 0 : i32
    %c0_i32_0 = arith.constant 0 : i32
    %c0_i32_1 = arith.constant 0 : i32
    %c0_i32_2 = arith.constant 0 : i32
    %c0_i32_3 = arith.constant 0 : i32
    return %arg0, %c0_i32, %c0_i32_0, %c0_i32_1, %c0_i32_2 : i32, i32, i32, i32, i32
  }
}

</mosaic_0001>

<sc_bundles>
// kernel: kernel.5.cloned.1.call-start
scs
__scs_entry_jumppad:
0x0: {  	(pc) =	sbr.rel $0x88, $3  }
0x1: {  	(tag) =	ssettag $0x0;
	lr =	simm.s32 $0x1  }
0x2: {  	[smem:$0x3F9F] =	sst lr;
	_ =	strace $0xD0000000  }
0x3: {  	_ = 	snop  }
0x4: {  	_ = 	snop  }
0x5: {  	_ = 	snop  }
0x6: {  	_ = 	snop  }
0x7: {  	_ = 	snop  }
__scs_overlays_trampoline_lowered:
0x8: {  	[smem:$0x3FAE] =	sst s0  }
0x9: {  	[smem:$0x3FAF] =	sst s1  }
0xa: {  	[smem:$0x3FB0] =	sst s2  }
0xb: {  	[smem:$0x3FB1] =	sst s3  }
0xc: {  	[smem:$0x3FB2] =	sst s4  }
0xd: {  	[smem:$0x3FB3] =	sst s5  }
0xe: {  	[smem:$0x3FB4] =	sst s6  }
0xf: {  	[smem:$0x3FB5] =	sst s7  }
0x10: {  	[smem:$0x3FB6] =	sst s8  }
0x11: {  	[smem:$0x3FB7] =	sst s9;
	s0 =	simm.s32 @!p0 $0x0  }
0x12: {  	s1 =	sld [smem:$0x3F9D];
	s0 =	simm.s32 @p0 $0x1  }
0x13: {  	[smem:$0x3FB8] =	sst s0;
	s0 =	simm.s32 @!p1 $0x0  }
0x14: {  	s2 =	sld [smem:$0x3F9C];
	s0 =	simm.s32 @p1 $0x1  }
0x15: {  	[smem:$0x3FB9] =	sst s0;
	s0 =	simm.s32 @!p2 $0x0  }
0x16: {  	s3 =	sld [smem:$0x3FDB];
	s0 =	simm.s32 @p2 $0x1  }
0x17: {  	s4 =	simm.s32 $0x1BF5;
	[smem:$0x3FBB] =	sst s0  }
0x18: {  	s0 =	sld [smem:$0x3F9E];
	_ =	swait.ge [sflag:s4], $0x0  }
0x19: {  	s7 =	sld [smem:$0x3F9F]  }
0x1a: {  	s8 =	sadd.s32 $0xFFFFE003, lr  }
0x1b: {  	s9 =	sadd.s32 $0xFFFFFEF7, lr;
	s5 =	simm.s32 $0xFFFFFFFF;
	p2 =	slt.u32 s8, $0xFFFFF086  }
0x1c: {  	p1 =	slt.u32 s9, $0xF7A;
	s5 =	simm.s32 @!p2 $0x0  }
0x1d: {  	s5 =	simm.s32 @p1 $0x1;
	p0 =	seq.s32 s7, s2  }
0x1e: {  	s7 =	smul.u32 @!p0 $0xF7A, s2;
	p2 =	seq.s32 @!p0 s5, $0x0  }
0x1f: {  	s9 =	smul.u32 $0xF7A, s1;
	s8 =	simm.s32 @!p0 $0x1BF5;
	p2 =	por !p2, p0  }
0x20: {  	[sflag:s8] =	ssyncset.s32 @!p0 $0xFFFFF086;
	s6 =	sadd.s32 @!p0 s3, s7;
	s7 =	simm.s32 @!p0 $0x108  }
0x21: {  	s3 =	sadd.s32 s3, s9;
	s6 =	sadd.s32 @!p0 $0x88, s6;
	s7 =	simm.s32 @p2 $0x1082  }
0x22: {  	[simem:s7], [sflag:s8] =	dma.local @!p0 [hbm:s6], $0xF7A  }
0x23: {  	s9 =	sor.u32 $0xD0000000, s2;
	s6 =	simm.s32 $0x108;
	_ =	swait.ge @!p0 [sflag:s8], $0x0  }
0x24: {  	s3 =	sadd.s32 $0x88, s3;
	s6 =	simm.s32 @!p1 $0x1082;
	[sflag:s4] =	ssyncset.s32 $0xFFFFF086  }
0x25: {  	[simem:s6], [sflag:s4] =	dma.local [hbm:s3], $0xF7A  }
0x26: {  	[smem:$0x3F9F] =	sst s1;
	(tag) =	ssettag s2;
	_ =	strace s9  }
0x27: {  	s1 =	sld [smem:$0x3FAF]  }
0x28: {  	s2 =	sld [smem:$0x3FB0]  }
0x29: {  	s4 =	sld [smem:$0x3FB2]  }
0x2a: {  	p0 =	seq.s32 s5, $0x0;
	s5 =	sld [smem:$0x3FB3]  }
0x2b: {  	s6 =	sld [smem:$0x3FB4]  }
0x2c: {  	s7 =	sld [smem:$0x3FB5]  }
0x2d: {  	s3 =	simm.s32 $0x108;
	s8 =	sld [smem:$0x3FB6]  }
0x2e: {  	s3 =	simm.s32 @!p0 $0x1082;
	s9 =	sld [smem:$0x3FB7]  }
0x2f: {  	lr =	sadd.s32 s0, s3;
	s0 =	sld [smem:$0x3FAE]  }
0x30: {  	s3 =	sld [smem:$0x3FB1]  }
0x31: {  	[smem:$0x3FBA] =	sst s10  }
0x32: {  	s10 =	sld [smem:$0x3FB8];
	_ =	sdelay $0x3  }
0x33: {  	p0 =	seq.s32 s10, $0x1;
	s10 =	sld [smem:$0x3FBA];
	_ =	sdelay $0x3  }
0x34: {  	[smem:$0x3FBA] =	sst s10  }
0x35: {  	s10 =	sld [smem:$0x3FB9];
	_ =	sdelay $0x3  }
0x36: {  	p1 =	seq.s32 s10, $0x1;
	s10 =	sld [smem:$0x3FBA];
	_ =	sdelay $0x3  }
0x37: {  	[smem:$0x3FBA] =	sst s10  }
0x38: {  	s10 =	sld [smem:$0x3FBB]  }
0x39: {  	_ = 	snop;
	(pc) =	sbr.ind lr, $3  }
0x3a: {  	_ = 	snop  }
0x3b: {  	_ = 	snop  }
0x3c: {  	p2 =	seq.s32 s10, $0x1;
	s10 =	sld [smem:$0x3FBA]  }
0x3d: {  	_ =	shalt  }
0x3e: {  	_ =	shalt  }
0x3f: {  	_ =	shalt  }
0x40: {  	_ =	shalt  }
0x41: {  	_ =	shalt  }
0x42: {  	_ =	shalt  }
0x43: {  	_ =	shalt  }
0x44: {  	_ =	shalt  }
0x45: {  	_ =	shalt  }
0x46: {  	_ =	shalt  }
0x47: {  	_ =	shalt  }
0x48: {  	_ =	shalt  }
0x49: {  	_ =	shalt  }
0x4a: {  	_ =	shalt  }
0x4b: {  	_ =	shalt  }
0x4c: {  	_ =	shalt  }
0x4d: {  	_ =	shalt  }
0x4e: {  	_ =	shalt  }
0x4f: {  	_ =	shalt  }
0x50: {  	_ =	shalt  }
0x51: {  	_ =	shalt  }
0x52: {  	_ =	shalt  }
0x53: {  	_ =	shalt  }
0x54: {  	_ =	shalt  }
0x55: {  	_ =	shalt  }
0x56: {  	_ =	shalt  }
0x57: {  	_ =	shalt  }
0x58: {  	_ =	shalt  }
0x59: {  	_ =	shalt  }
0x5a: {  	_ =	shalt  }
0x5b: {  	_ =	shalt  }
0x5c: {  	_ =	shalt  }
0x5d: {  	_ =	shalt  }
0x5e: {  	_ =	shalt  }
0x5f: {  	_ =	shalt  }
0x60: {  	_ =	shalt  }
0x61: {  	_ =	shalt  }
0x62: {  	_ =	shalt  }
0x63: {  	_ =	shalt  }
0x64: {  	_ =	shalt  }
0x65: {  	_ =	shalt  }
0x66: {  	_ =	shalt  }
0x67: {  	_ =	shalt  }
0x68: {  	_ =	shalt  }
0x69: {  	_ =	shalt  }
0x6a: {  	_ =	shalt  }
0x6b: {  	_ =	shalt  }
0x6c: {  	_ =	shalt  }
0x6d: {  	_ =	shalt  }
0x6e: {  	_ =	shalt  }
0x6f: {  	_ =	shalt  }
0x70: {  	_ =	shalt  }
0x71: {  	_ =	shalt  }
0x72: {  	_ =	shalt  }
0x73: {  	_ =	shalt  }
0x74: {  	_ =	shalt  }
0x75: {  	_ =	shalt  }
0x76: {  	_ =	shalt  }
0x77: {  	_ =	shalt  }
0x78: {  	_ =	shalt  }
0x79: {  	_ =	shalt  }
0x7a: {  	_ =	shalt  }
0x7b: {  	_ =	shalt  }
0x7c: {  	_ =	shalt  }
0x7d: {  	_ =	shalt  }
0x7e: {  	_ =	shalt  }
0x7f: {  	_ =	shalt  }
0x80: {  	_ =	shalt  }
0x81: {  	_ =	shalt  }
0x82: {  	_ =	shalt  }
0x83: {  	_ =	shalt  }
0x84: {  	_ =	shalt  }
0x85: {  	_ =	shalt  }
0x86: {  	_ =	shalt  }
0x87: {  	_ =	shalt  }
.Lfunc_end0:
.L_simem_size_0:
called_computation_lowered:
.L_overlay_start_0:
0x88: {  	s2 =	sld [smem:$0x3FD9]  }
0x89: {  	s3 =	sld [smem:$0x3FFE];
	_ =	sdelay $0x1  }
0x8a: {  	s1 =	srdreg.scid  }
0x8b: {  	s0 =	sand.u32 $0x1, s1  }
0x8c: {  	s17 =	sshll.u32 s0, $0xA;
	s2 =	sadd.s32 s3, s2  }
0x8d: {  	s2 =	sadd.s32 s2, s17  }
0x8e: {  	[smem:$0x3FC6] =	sst s2  }
0x8f: {  	_ = 	snop  }
0x90: {  	s2 =	sld [smem:$0x3FD0];
	(tm) =	ssettm $0x1  }
0x91: {  	s18 =	sld [smem:$0x3FFB];
	_ =	sdelay $0x3  }
0x92: {  	_ =	strace s18  }
0x93: {  	s3 =	sld [smem:$0x3FFC];
	_ =	sdelay $0x3  }
0x94: {  	_ =	strace s3  }
0x95: {  	s3 =	sld [smem:$0x3FFD];
	_ =	sdelay $0x3  }
0x96: {  	_ =	strace s3  }
0x97: {  	_ =	strace $0x8FFFFFFF  }
0x98: {  	s19 =	sld [smem:$0x3FDB];
	_ =	sdelay $0x1  }
0x99: {  	s4 =	simm.s32 $_scs_section_size  }
0x9a: {  	s5 =	simm.s32 $_size__tile_overlayer_lowered;
	s6 =	simm.s32 $_tile_overlayer_lowered  }
0x9b: {  	s22 =	simm.s32 $0x1BFF;
	s21 =	sshll.u32 s6, $0x1;
	s3 =	sadd.s32 s4, s19  }
0x9c: {  	s7 =	simm.s32 $0x0;
	s20 =	sshll.u32 s5, $0x1;
	s5 =	sadd.s32 s21, s3  }
0x9d: {  	[timem:s7], [sflag:s22] =	dma.local [hbm:s5], s20  }
0x9e: {  	_ =	swait.ge [sflag:s22], s20  }
0x9f: {  	s4 =	ssub.s32 $0x0, s20;
	[sflag:s22] =	ssyncset.done $0x0  }
0xa0: {  	[sflag:s22] =	ssyncadd.s32 s4;
	_ =	sdelay $0x1  }
0xa1: {  	s23 =	simm.s32 $0x1B8B  }
0xa2: {  	_ =	swait.ge [sflag:s23], $0x1  }
0xa3: {  	[sflag:s23] =	ssyncset.done $0x0  }
0xa4: {  	s25 =	simm.s32 $0x1B8E;
	s24 =	sld [smem:$0x3FFE];
	[sflag:s23] =	ssyncadd.s32 $0xFFFFFFFF  }
0xa5: {  	s26 =	simm.s32 $execute0_lowered;
	[smem:$0x3FD2] =	sst s25  }
0xa6: {  	s5 =	sshll.u32 s26, $0x1;
	_ =	strace $0x80000046;
	[dreg:$0x1] =	wrdreg $0xFFFFFFFF  }
0xa7: {  	s28 =	simm.s32 $_size_execute0_lowered;
	s3 =	sadd.s32 s3, s5;
	[dreg:$0x0] =	wrdreg $0x0  }
0xa8: {  	s5 =	sshll.u32 s28, $0x1;
	[dreg:$0x2] =	wrdreg s3  }
0xa9: {  	[dreg:$0x3] =	wrdreg s5  }
0xaa: {  	[dreg:$0x4] =	wrdreg $0xC0  }
0xab: {  	_ =	task [dreg:s7], $0x5FFFF  }
0xac: {  	[dreg:$0x1] =	wrdreg $0xFFFFFFFF  }
0xad: {  	[dreg:$0x0] =	wrdreg $0x60  }
0xae: {  	[dreg:$0x2] =	wrdreg s2  }
0xaf: {  	[dreg:$0x3] =	wrdreg s24  }
0xb0: {  	[dreg:$0x4] =	wrdreg $0x9  }
0xb1: {  	_ =	task.clear_ibuf [dreg:s7], $0x5FFFF;
	_ =	strace $0x90000046  }
0xb2: {  	s29 =	simm.s32 $0x9;
	_ =	strace $0x80000048  }
0xb3: {  	_ =	swait.ge [sflag:s29], $0x1  }
0xb4: {  	[sflag:s29] =	ssyncadd.s32 $0xFFFFFFFF  }
0xb5: {  	_ =	strace $0x90000048  }
0xb6: {  	_ =	sfence  }
0xb7: {  	s30 =	sld [smem:$0x0];
	_ =	sdelay $0x2  }
0xb8: {  	s31 =	sshll.u32 s1, $0xD;
	s1 =	sshrl.u32 s1, $0x2  }
0xb9: {  	s3 =	sand.u32 $0x4000, s31;
	s1 =	sadd.s32 s1, s30  }
0xba: {  	s0 =	sor.u32 s3, s0;
	s1 =	sshll.u32 s1, $0x11  }
0xbb: {  	s0 =	sor.u32 s1, s0  }
0xbc: {  	s0 =	sadd.s32 $0x8F2B, s0  }
0xbd: {  	[sflag:s0] =	ssyncadd.remote.s32 $0x1  }
0xbe: {  	_ =	sfence.sel $0xFFFF  }
0xbf: {  	[dreg:$0x0] =	wrdreg $0xFFFFFFFF;
	(pc) =	sbr.abs _section_cstart, $3  }
0xc0: {  	[dreg:$0x1] =	wrdreg $0xFFFFFFFF  }
0xc1: {  	_ =	task.clear_ibuf [dreg:s7], $0x2FFFF;
	_ =	strace $0x9FFFFFFF  }
0xc2: {  	(tm) =	ssettm $0x7FFFFFFF  }
0xc3: {  	_ =	shalt  }
tec
execute0_lowered:
.L_overlay_start_1:
0x0: {  	(tag) =	ssettag $0x1  }
0x1: {  	s1 =	rddreg [dreg:$0x0]  }
0x2: {  	s3 =	rddreg [dreg:$0x1]  }
0x3: {  	s0 =	rddreg [dreg:$0x2];
	s2 =	simm.s32 $0x0  }
0x4: {  	s4 =	srdreg.scid;
	s9 =	simm.s32 $0x14800;
	s10 =	simm.s32 $0x800  }
0x5: {  	s11 =	simm.s32 $0x1000;
	s12 =	simm.s32 $0x400;
	s13 =	simm.s32 $0xC800  }
0x6: {  	s14 =	simm.s32 $0x0;
	[smem:$0x7FF] =	sst s2;
	s6 =	sand.u32 $0x1, s4  }
0x7: {  	s4 =	sadd.s32 $0xE00, s3;
	s5 =	sadd.s32 $0x1200, s3;
	s7 =	ssub.s32 $0x2, s6  }
0x8: {  	s3 =	stileid.u32;
	_ =	strace $0x80000047;
	s8 =	sshrl.u32 s7, $0x1  }
0x9: {  	s31 =	sshll.u32 s3, $0x3;
	s6 =	sshll.u32 s6, $0x2;
	s7 =	ssub.s32 s7, s8  }
0xa: {  	s6 =	sor.u32 s6, s31;
	s8 =	simm.s32 $0x1;
	s7 =	smax.u32 s7, $0x1  }
.LBB2_1:
0xb: {  	s15 =	simm.s32 $0x0  }
.LBB2_2:
0xc: {  	s17 =	sadd.s32 s6, s15;
	s16 =	sand.u32 $0x1, s15  }
0xd: {  	p0 =	seq.s32 s17, $0x0;
	p1 =	seq.s32 s16, $0x1  }
0xe: {  	p0 =	por !p0, !p1  }
0xf: {  	s18 =	simm.s32 $0x1;
	p0 =	por !p0, !p0  }
0x10: {  	s17 =	sshrl.u32 s17, $0x1;
	s18 =	simm.s32 @!p0 $0x0  }
0x11: {  	s17 =	ssub.s32 s17, s18  }
0x12: {  	s18 =	sshll.u32 s17, $0x4  }
0x13: {  	s19 =	simm.s32 $0x0;
	s18 =	sand.u32 $0x1FFFFFF0, s18  }
0x14: {  	s20 =	sshll.u32 s16, $0xB;
	s29 =	smul.u32 $0x19000, s17;
	s18 =	sadd.s32 s4, s18  }
0x15: {  	[tilespmem:s9], [sflag:$0x1] =	stream.linear.gather [hbm4b:s18+s19], $0x80, $0x38;
	[tilespmem:$0x14880] =	vst v63  }
0x16: {  	s18 =	sor.u32 s20, s29;
	_ =	swait.ge [sflag:s8], $0x80  }
0x17: {  	s18 =	sshrl.u32 s18, $0x3;
	[sflag:s8] =	ssyncset.done $0x0  }
0x18: {  	s18 =	sadd.s32 s1, s18;
	[sflag:s8] =	ssyncadd.s32 $0xFFFFFF80  }
0x19: {  	[tilespmem:s19], [sflag:$0x1] =	stream.strided.gather [hbm4b:s18+s10], $0xC800, s11, s10, $0x38;
	[tilespmem:$0x14880] =	vst v63  }
0x1a: {  	_ =	swait.ge [sflag:s8], $0xC800  }
0x1b: {  	[sflag:s8] =	ssyncset.done $0x0  }
0x1c: {  	[sflag:s8] =	ssyncadd.s32 $0xFFFF3800  }
0x1d: {  	v0 =	vld [tilespmem:$0x14800];
	_ =	sdelay $0x2  }
0x1e: {  	s30 =	sand.u32 $0x7, s19  }
0x1f: {  	s19 =	sshll.u32 s30, $0x5  }
0x20: {  	s19 =	sadd.s32 $0x0, s19;
	v1 =	vshll.u32 v0, $0x8;
	v0 =	vshll.u32 v0, $0x7  }
0x21: {  	v3 =	vmov s19;
	v2 =	vld [tilespmem:$0x14810];
	v1 =	vand.u32 $0xFFFFF800, v1;
	v0 =	vand.u32 $0x380, v0  }
0x22: {  	v8 =	vand.u32 $0x7F, v3;
	v0 =	vor.u32 v1, v0;
	v1 =	vshll.u32 v3, $0x3  }
0x23: {  	v10 =	vand.u32 $0x400, v1;
	v1 =	vor.u32 v0, v8  }
0x24: {  	v3 =	vor.u32 v10, v1;
	_ =	sdelay $0x1  }
0x25: {  	v1 =	vshll.u32 v2, $0x8;
	v2 =	vshll.u32 v2, $0x7  }
0x26: {  	v4 =	vld [tilespmem:$0x14820];
	v1 =	vand.u32 $0xFFFFF800, v1;
	v2 =	vand.u32 $0x380, v2  }
0x27: {  	v1 =	vor.u32 v1, v2  }
0x28: {  	v2 =	vor.u32 v1, v8;
	v3 =	vld.idx.msk [tilespmem:v3+s2+$0x0], $0xffff  }
0x29: {  	v5 =	vld [tilespmem:$0x14830];
	v7 =	vor.u32 v10, v2  }
0x2a: {  	s31 =	simm.s32 $0x0;
	v6 =	vld [tilespmem:$0x14840]  }
0x2b: {  	s18 =	sshll.u32 s30, $0x7;
	s19 =	sand.u32 $0x3FFFFC00, s31;
	v9 =	vld [tilespmem:$0x14850];
	v2 =	vshll.u32 v4, $0x8;
	v4 =	vshll.u32 v4, $0x7  }
0x2c: {  	s18 =	sor.u32 s18, s19;
	v11 =	vld [tilespmem:$0x14860];
	v2 =	vand.u32 $0xFFFFF800, v2;
	v4 =	vand.u32 $0x380, v4  }
0x2d: {  	v12 =	vld [tilespmem:$0x14870];
	v2 =	vor.u32 v2, v4;
	[tilespmem:s18+$0xC800] =	vst v3  }
0x2e: {  	v3 =	vor.u32 v2, v8;
	v4 =	vld.idx.msk [tilespmem:v7+s2+$0x0], $0xffff  }
0x2f: {  	v7 =	vor.u32 v10, v3;
	_ =	sdelay $0x1  }
0x30: {  	v3 =	vshll.u32 v5, $0x8;
	v5 =	vshll.u32 v5, $0x7  }
0x31: {  	v3 =	vand.u32 $0xFFFFF800, v3;
	v5 =	vand.u32 $0x380, v5  }
0x32: {  	v3 =	vor.u32 v3, v5;
	[tilespmem:s18+$0xC810] =	vst v4  }
0x33: {  	v4 =	vor.u32 v3, v8;
	v5 =	vld.idx.msk [tilespmem:v7+s2+$0x0], $0xffff  }
0x34: {  	v7 =	vor.u32 v10, v4;
	_ =	sdelay $0x1  }
0x35: {  	v4 =	vshll.u32 v6, $0x8;
	v6 =	vshll.u32 v6, $0x7  }
0x36: {  	v4 =	vand.u32 $0xFFFFF800, v4;
	v6 =	vand.u32 $0x380, v6  }
0x37: {  	v4 =	vor.u32 v4, v6;
	[tilespmem:s18+$0xC820] =	vst v5  }
0x38: {  	v5 =	vor.u32 v4, v8;
	v6 =	vld.idx.msk [tilespmem:v7+s2+$0x0], $0xffff  }
0x39: {  	v7 =	vor.u32 v10, v5;
	_ =	sdelay $0x1  }
0x3a: {  	v5 =	vshll.u32 v9, $0x8;
	v9 =	vshll.u32 v9, $0x7  }
0x3b: {  	v5 =	vand.u32 $0xFFFFF800, v5;
	v9 =	vand.u32 $0x380, v9  }
0x3c: {  	v5 =	vor.u32 v5, v9;
	[tilespmem:s18+$0xC830] =	vst v6  }
0x3d: {  	v6 =	vor.u32 v5, v8;
	v7 =	vld.idx.msk [tilespmem:v7+s2+$0x0], $0xffff  }
0x3e: {  	v9 =	vor.u32 v10, v6;
	_ =	sdelay $0x1  }
0x3f: {  	v6 =	vshll.u32 v11, $0x8;
	v11 =	vshll.u32 v11, $0x7  }
0x40: {  	v6 =	vand.u32 $0xFFFFF800, v6;
	v11 =	vand.u32 $0x380, v11  }
0x41: {  	v6 =	vor.u32 v6, v11;
	[tilespmem:s18+$0xC840] =	vst v7  }
0x42: {  	v7 =	vor.u32 v6, v8;
	v9 =	vld.idx.msk [tilespmem:v9+s2+$0x0], $0xffff  }
0x43: {  	v11 =	vor.u32 v10, v7;
	_ =	sdelay $0x1  }
0x44: {  	v7 =	vshll.u32 v12, $0x8;
	v12 =	vshll.u32 v12, $0x7  }
0x45: {  	v7 =	vand.u32 $0xFFFFF800, v7;
	v12 =	vand.u32 $0x380, v12  }
0x46: {  	v7 =	vor.u32 v7, v12;
	[tilespmem:s18+$0xC850] =	vst v9  }
0x47: {  	v8 =	vor.u32 v7, v8;
	v9 =	vld.idx.msk [tilespmem:v11+s2+$0x0], $0xffff  }
0x48: {  	s19 =	simm.s32 $0x1;
	v8 =	vor.u32 v10, v8  }
0x49: {  	s20 =	simm.s32 $0x2;
	s21 =	sand.u32 $0x7, s19  }
.LBB2_3:
0x4a: {  	p0 =	sne.s32 s20, $0xFF;
	s22 =	sshrl.u32 s19, $0x3;
	s23 =	sshll.u32 s21, $0x5  }
0x4b: {  	s22 =	sadd.s32 s22, s23  }
0x4c: {  	v10 =	vmov s22;
	[tilespmem:s18+$0xC860] =	vst v9  }
0x4d: {  	v11 =	vand.u32 $0x7F, v10;
	v9 =	vshll.u32 v10, $0x3;
	v8 =	vld.idx.msk [tilespmem:v8+s2+$0x0], $0xffff  }
0x4e: {  	v10 =	vand.u32 $0x400, v9;
	v9 =	vor.u32 v0, v11  }
0x4f: {  	v9 =	vor.u32 v10, v9;
	_ =	sdelay $0x3  }
0x50: {  	[tilespmem:s18+$0xC870] =	vst v8  }
0x51: {  	v8 =	vld.idx.msk [tilespmem:v9+s2+$0x0], $0xffff  }
0x52: {  	v9 =	vor.u32 v1, v11  }
0x53: {  	v9 =	vor.u32 v10, v9  }
0x54: {  	s18 =	sshll.u32 s19, $0x7;
	s19 =	smov.u32 s20  }
0x55: {  	s21 =	sshll.u32 s21, $0x7;
	s18 =	sand.u32 $0x3FFFFC00, s18  }
0x56: {  	s18 =	sor.u32 s21, s18  }
0x57: {  	[tilespmem:s18+$0xC800] =	vst v8  }
0x58: {  	v8 =	vld.idx.msk [tilespmem:v9+s2+$0x0], $0xffff  }
0x59: {  	v9 =	vor.u32 v2, v11  }
0x5a: {  	v9 =	vor.u32 v10, v9;
	_ =	sdelay $0x3  }
0x5b: {  	[tilespmem:s18+$0xC810] =	vst v8  }
0x5c: {  	v8 =	vld.idx.msk [tilespmem:v9+s2+$0x0], $0xffff  }
0x5d: {  	v9 =	vor.u32 v3, v11  }
0x5e: {  	v9 =	vor.u32 v10, v9;
	_ =	sdelay $0x3  }
0x5f: {  	[tilespmem:s18+$0xC820] =	vst v8  }
0x60: {  	v8 =	vld.idx.msk [tilespmem:v9+s2+$0x0], $0xffff  }
0x61: {  	v9 =	vor.u32 v4, v11  }
0x62: {  	v9 =	vor.u32 v10, v9;
	_ =	sdelay $0x3  }
0x63: {  	[tilespmem:s18+$0xC830] =	vst v8  }
0x64: {  	v8 =	vld.idx.msk [tilespmem:v9+s2+$0x0], $0xffff  }
0x65: {  	v9 =	vor.u32 v5, v11  }
0x66: {  	v9 =	vor.u32 v10, v9;
	_ =	sdelay $0x3  }
0x67: {  	[tilespmem:s18+$0xC840] =	vst v8  }
0x68: {  	v8 =	vld.idx.msk [tilespmem:v9+s2+$0x0], $0xffff  }
0x69: {  	v9 =	vor.u32 v6, v11  }
0x6a: {  	v9 =	vor.u32 v10, v9;
	_ =	sdelay $0x3  }
.Ltmp0:
0x6b: {  	[tilespmem:s18+$0xC850] =	vst v8;
	(pc) =	sbr.rel @p0 .LBB2_3-.Ltmp0, $4  }
0x6c: {  	v9 =	vld.idx.msk [tilespmem:v9+s2+$0x0], $0xffff  }
0x6d: {  	v8 =	vor.u32 v7, v11  }
0x6e: {  	v8 =	vor.u32 v10, v8  }
0x6f: {  	s20 =	sadd.s32 $0x1, s20;
	s21 =	sand.u32 $0x7, s19  }
0x70: {  	s20 =	sshrl.u32 s19, $0x3;
	s22 =	sshll.u32 s21, $0x5  }
0x71: {  	s20 =	sadd.s32 s20, s22  }
0x72: {  	v10 =	vmov s20  }
0x73: {  	[tilespmem:s18+$0xC860] =	vst v9;
	v57 =	vand.u32 $0x7F, v10;
	v10 =	vshll.u32 v10, $0x3  }
0x74: {  	v8 =	vld.idx.msk [tilespmem:v8+s2+$0x0], $0xffff;
	v10 =	vand.u32 $0x400, v10;
	v0 =	vor.u32 v0, v57  }
0x75: {  	v0 =	vor.u32 v10, v0;
	_ =	sdelay $0x3  }
0x76: {  	[tilespmem:s18+$0xC870] =	vst v8  }
0x77: {  	v1 =	vor.u32 v1, v57;
	v0 =	vld.idx.msk [tilespmem:v0+s2+$0x0], $0xffff  }
0x78: {  	v1 =	vor.u32 v10, v1  }
0x79: {  	s30 =	sshll.u32 s19, $0x7  }
0x7a: {  	s31 =	sshll.u32 s21, $0x7;
	s18 =	sand.u32 $0x3FFFFC00, s30  }
0x7b: {  	s18 =	sor.u32 s31, s18  }
0x7c: {  	[tilespmem:s18+$0xC800] =	vst v0  }
0x7d: {  	v58 =	vor.u32 v2, v57;
	v0 =	vld.idx.msk [tilespmem:v1+s2+$0x0], $0xffff  }
0x7e: {  	v1 =	vor.u32 v10, v58;
	_ =	sdelay $0x3  }
0x7f: {  	[tilespmem:s18+$0xC810] =	vst v0  }
0x80: {  	v59 =	vor.u32 v3, v57;
	v0 =	vld.idx.msk [tilespmem:v1+s2+$0x0], $0xffff  }
0x81: {  	v1 =	vor.u32 v10, v59;
	_ =	sdelay $0x3  }
0x82: {  	[tilespmem:s18+$0xC820] =	vst v0  }
0x83: {  	v60 =	vor.u32 v4, v57;
	v0 =	vld.idx.msk [tilespmem:v1+s2+$0x0], $0xffff  }
0x84: {  	v1 =	vor.u32 v10, v60;
	_ =	sdelay $0x3  }
0x85: {  	[tilespmem:s18+$0xC830] =	vst v0  }
0x86: {  	v61 =	vor.u32 v5, v57;
	v0 =	vld.idx.msk [tilespmem:v1+s2+$0x0], $0xffff  }
0x87: {  	v1 =	vor.u32 v10, v61;
	_ =	sdelay $0x3  }
0x88: {  	[tilespmem:s18+$0xC840] =	vst v0  }
0x89: {  	v62 =	vor.u32 v6, v57;
	v0 =	vld.idx.msk [tilespmem:v1+s2+$0x0], $0xffff  }
0x8a: {  	v1 =	vor.u32 v10, v62;
	_ =	sdelay $0x3  }
0x8b: {  	[tilespmem:s18+$0xC850] =	vst v0  }
0x8c: {  	v63 =	vor.u32 v7, v57;
	v0 =	vld.idx.msk [tilespmem:v1+s2+$0x0], $0xffff  }
0x8d: {  	v1 =	vor.u32 v10, v63;
	_ =	sdelay $0x3  }
0x8e: {  	[tilespmem:s18+$0xC860] =	vst v0  }
0x8f: {  	v0 =	vld.idx.msk [tilespmem:v1+s2+$0x0], $0xffff;
	_ =	sdelay $0x1  }
0x90: {  	s17 =	sshll.u32 s17, $0x10;
	s16 =	sshll.u32 s16, $0xA  }
0x91: {  	s15 =	sadd.s32 $0x1, s15;
	s16 =	sor.u32 s16, s17  }
0x92: {  	p0 =	sne.s32 s15, $0x4;
	s16 =	sshrl.u32 s16, $0x3  }
.Ltmp1:
0x93: {  	s16 =	sadd.s32 s5, s16;
	[tilespmem:s18+$0xC870] =	vst v0;
	(pc) =	sbr.rel @p0 .LBB2_2-.Ltmp1, $4  }
0x94: {  	[hbm4b:s16+s12] =	stream.strided.scatter [tilespmem:s13], [sflag:$0x1], $0x8000, s10, s12, $0x38;
	[tilespmem:$0x14880] =	vst v63  }
0x95: {  	_ =	swait.ge [sflag:s8], $0x8000  }
0x96: {  	[sflag:s8] =	ssyncset.done $0x0  }
0x97: {  	[sflag:s8] =	ssyncadd.s32 $0xFFFF8000  }
0x98: {  	s14 =	sadd.s32 $0x1, s14  }
0x99: {  	p0 =	sne.s32 s14, s7  }
.Ltmp2:
0x9a: {  	_ = 	snop;
	(pc) =	sbr.rel @p0 .LBB2_1-.Ltmp2, $1  }
0x9b: {  	_ =	sdelay $0x3  }
0x9c: {  	_ =	sfence.sel $0x180000  }
0x9d: {  	[bflag:$0x0] =	sbarrier.arrive $0xFFFF  }
0x9e: {  	p0 =	sne.s32 s3, $0x0;
	_ =	strace $0x90000047  }
0x9f: {  	s0 =	sadd.s32 @!p0 $0x100000, s0;
	[bflag:$0x2] =	sbarrier.arrive $0xFFFF  }
0xa0: {  	[sflag:s0] =	ssyncadd.tile.s32 @!p0 $0x1;
	_ =	shalt  }
.Lfunc_end2:
_tile_overlayer_lowered:
.L_overlay_start_2:
0xa1: {  	(tag) =	ssettag $0x2  }
0xa2: {  	s0 =	rddreg [dreg:$0x0];
	s2 =	stileid.u32  }
0xa3: {  	s1 =	rddreg [dreg:$0x1];
	p0 =	sne.s32 s2, $0x0  }
0xa4: {  	s3 =	rddreg [dreg:$0x2];
	[bflag:$0x3] =	sbarrier.arrive $0xFFFF;
	s2 =	simm.s32 @!p0 $0x1C01  }
0xa5: {  	[timem:s3], [sflag:s2] =	dma.local @!p0 [hbm:s0], s1  }
0xa6: {  	s0 =	simm.s32 @!p0 $0x1  }
0xa7: {  	_ =	swait.ge @!p0 [sflag:s0], s1  }
0xa8: {  	s1 =	ssub.s32 @!p0 $0x0, s1;
	[sflag:s0] =	ssyncset.done @!p0 $0x0  }
0xa9: {  	[sflag:s0] =	ssyncadd.s32 @!p0 s1  }
0xaa: {  	[bflag:$0x3] =	sbarrier.arrive $0xFFFF  }
0xab: {  	_ =	shalt  }

</sc_bundles>
